<compile_context>
chip_gen: v7x
topology: tpu7x:2x2x1
jax: 0.10.2.dev20260603
libtpu: 0.0.44.dev20260713+nightly
codegen_flags: <defaults>
</compile_context>

<pallas_src>
import functools

import jax
import jax.numpy as jnp
from jax import lax
from jax.experimental import pallas as pl
from jax.experimental.pallas import tpu as pltpu
from jax.experimental.pallas import tpu_sc as plsc

N = 10000
E = 320000
D = 128
H = 128
B = 64
OUT = 16
DOC = 128

NC = 2
NS = 16
NW = NC * NS
EPW = E // NW
K = 80
NCHUNK = EPW // K
NPAD = 10240
RPT = NPAD // NS

BN = 5000
NB = N // BN

def _deg_body(dst_hbm, zeros_hbm, out_hbm, idx_v, hist_v):
    c = lax.axis_index("c")
    s = lax.axis_index("s")
    wid = c * NS + s
    pltpu.sync_copy(zeros_hbm, hist_v)
    pltpu.sync_copy(dst_hbm.at[wid], idx_v)
    ones = jnp.ones((16,), jnp.float32)

    def body(i, carry):
        for u in range(5):
            idx16 = idx_v[pl.ds(i * 80 + u * 16, 16)]
            plsc.addupdate_scatter(hist_v, [idx16], ones)
        return carry

    lax.fori_loop(0, EPW // 80, body, 0)
    pltpu.sync_copy(hist_v, out_hbm.at[wid])


def _agg_body(src_hbm, dst_hbm, g_hbm, out_hbm,
              src_v, dst_v, rows_a, rows_b, sem_a, sem_b, sem_sa, sem_sb,
              acc_sh):
    c = lax.axis_index("c")
    s = lax.axis_index("s")
    wid = c * NS + s
    zero16 = jnp.zeros((16,), jnp.float32)

    def zbody(t, carry):
        rows_a[t // 8, pl.ds((t % 8) * 16, 16)] = zero16
        return carry

    lax.fori_loop(0, K * 8, zbody, 0)

    def zcopy(q, carry):
        pltpu.sync_copy(rows_a, acc_sh.at[pl.ds(s * RPT + q * K, K)])
        return carry

    lax.fori_loop(0, RPT // K, zcopy, 0)
    pltpu.sync_copy(src_hbm.at[wid], src_v)
    pltpu.sync_copy(dst_hbm.at[wid], dst_v)
    plsc.subcore_barrier()

    def src_at(j):
        return src_v.at[pl.ds(pl.multiple_of(j * K, K), K)]

    pltpu.async_copy(g_hbm.at[src_at(0)], rows_a, sem_a)

    pltpu.async_copy(g_hbm.at[src_at(1)], rows_b, sem_b)

    def body(jj, carry):
        j0 = jj * 2
        j1 = j0 + 1
        pltpu.make_async_copy(g_hbm.at[src_at(j0)], rows_a, sem_a).wait()
        pltpu.async_copy(rows_a, acc_sh.at[dst_v.at[j0]], sem_sa, add=True)
        pltpu.make_async_copy(g_hbm.at[src_at(j1)], rows_b, sem_b).wait()
        pltpu.async_copy(rows_b, acc_sh.at[dst_v.at[j1]], sem_sb, add=True)
        pltpu.make_async_copy(rows_a, acc_sh.at[dst_v.at[j0]], sem_sa).wait()
        pltpu.async_copy(g_hbm.at[src_at(j0 + 2)], rows_a, sem_a)
        pltpu.make_async_copy(rows_b, acc_sh.at[dst_v.at[j1]], sem_sb).wait()

        @pl.when(j1 + 2 < NCHUNK)
        def _nextb():
            pltpu.async_copy(g_hbm.at[src_at(j1 + 2)], rows_b, sem_b)

        return carry

    lax.fori_loop(0, NCHUNK // 2, body, 0)
    pltpu.make_async_copy(g_hbm.at[src_at(NCHUNK - 1)], rows_a, sem_a).wait()
    pltpu.sync_copy(rows_a, acc_sh.at[dst_v.at[NCHUNK - 1]], add=True)
    plsc.subcore_barrier()
    pltpu.sync_copy(acc_sh.at[pl.ds(s * RPT, RPT)],
                    out_hbm.at[c, pl.ds(s * RPT, RPT)])


@functools.lru_cache(maxsize=None)
def _sc_kernels():
    mesh = plsc.VectorSubcoreMesh(
        core_axis_name="c", subcore_axis_name="s",
        num_cores=NC, num_subcores=NS)
    deg_kernel = pl.kernel(
        _deg_body,
        out_type=jax.ShapeDtypeStruct((NW, NPAD), jnp.float32),
        mesh=mesh,
        scratch_types=[
            pltpu.VMEM((EPW,), jnp.int32),
            pltpu.VMEM((NPAD,), jnp.float32),
        ],
        compiler_params=pltpu.CompilerParams(needs_layout_passes=False),
    )
    agg_kernel = pl.kernel(
        _agg_body,
        out_type=jax.ShapeDtypeStruct((NC, NPAD, H), jnp.float32),
        mesh=mesh,
        scratch_types=[
            pltpu.VMEM((EPW,), jnp.int32),
            pltpu.VMEM((NCHUNK, K), jnp.int32),
            pltpu.VMEM((K, H), jnp.float32),
            pltpu.VMEM((K, H), jnp.float32),
            pltpu.SemaphoreType.DMA,
            pltpu.SemaphoreType.DMA,
            pltpu.SemaphoreType.DMA,
            pltpu.SemaphoreType.DMA,
            pltpu.VMEM_SHARED((NPAD, H), jnp.float32),
        ],
    )
    return deg_kernel, agg_kernel


def _scale_body(x_ref, w_ref, degs_ref, g_ref, dinv_ref):
    d = jnp.sum(degs_ref[...], axis=1).reshape(BN, 1) + 1.0
    dv = lax.rsqrt(d)
    h = jnp.dot(x_ref[...], w_ref[...], preferred_element_type=jnp.float32)
    g_ref[...] = dv * h
    dinv_ref[...] = dv


def _phase_b(x, w_gcn, degs):
    return pl.pallas_call(
        _scale_body,
        grid=(NB,),
        in_specs=[
            pl.BlockSpec((BN, D), lambda i: (i, 0)),
            pl.BlockSpec((D, H), lambda i: (0, 0)),
            pl.BlockSpec((BN, NW), lambda i: (i, 0)),
        ],
        out_specs=[
            pl.BlockSpec((BN, H), lambda i: (i, 0)),
            pl.BlockSpec((BN, 1), lambda i: (i, 0)),
        ],
        out_shape=[
            jax.ShapeDtypeStruct((N, H), jnp.float32),
            jax.ShapeDtypeStruct((N, 1), jnp.float32),
        ],
    )(x, w_gcn, degs)


def _tail_body(accs_ref, g_ref, dinv_ref, batch_ref, bgcn_ref,
               doc_ref, wdoc_ref, bdoc_ref, lng_ref, lnb_ref,
               wfus_ref, bfus_ref, wtask_ref, btask_ref, wtime_ref, btime_ref,
               task_ref, time_ref, pooled_acc, count_acc):
    i = pl.program_id(0)

    @pl.when(i == 0)
    def _init():
        pooled_acc[...] = jnp.zeros_like(pooled_acc)
        count_acc[...] = jnp.zeros_like(count_acc)

    agg = accs_ref[0] + accs_ref[1] + g_ref[...]
    nodes = jax.nn.relu(dinv_ref[...] * agg + bgcn_ref[...])
    seg = lax.broadcasted_iota(jnp.int32, (BN, B), 1)
    mask = (batch_ref[...] == seg).astype(jnp.float32)
    pooled_acc[...] += lax.dot_general(
        mask, nodes, (((0,), (0,)), ((), ())),
        preferred_element_type=jnp.float32)
    count_acc[...] += lax.dot_general(
        mask, jnp.ones((BN, 1), jnp.float32), (((0,), (0,)), ((), ())),
        preferred_element_type=jnp.float32)

    @pl.when(i == NB - 1)
    def _final():
        pooled = pooled_acc[...] / jnp.maximum(count_acc[...], 1.0)
        doc_emb = jax.nn.relu(
            jnp.dot(doc_ref[...], wdoc_ref[...],
                    preferred_element_type=jnp.float32) + bdoc_ref[...])
        z = jnp.concatenate([pooled, doc_emb], axis=1)
        mu = jnp.mean(z, axis=-1, keepdims=True)
        var = jnp.mean((z - mu) ** 2, axis=-1, keepdims=True)
        z = (z - mu) * lax.rsqrt(var + 1e-5) * lng_ref[...] + lnb_ref[...]
        f = jax.nn.relu(
            jnp.dot(z, wfus_ref[...],
                    preferred_element_type=jnp.float32) + bfus_ref[...])
        task_ref[...] = jnp.dot(
            f, wtask_ref[...], preferred_element_type=jnp.float32) + btask_ref[...]
        time_ref[...] = jnp.dot(
            f, wtime_ref[...], preferred_element_type=jnp.float32) + btime_ref[...]


def _phase_d(accs, g, dinv, batch2, b_gcn, doc, w_doc, b_doc,
             ln_g, ln_b, w_fus, b_fus, w_task, b_task, w_time, b_time):
    full = lambda shape: pl.BlockSpec(shape, lambda i: tuple(0 for _ in shape))
    return pl.pallas_call(
        _tail_body,
        grid=(NB,),
        in_specs=[
            pl.BlockSpec((NC, BN, H), lambda i: (0, i, 0)),
            pl.BlockSpec((BN, H), lambda i: (i, 0)),
            pl.BlockSpec((BN, 1), lambda i: (i, 0)),
            pl.BlockSpec((BN, 1), lambda i: (i, 0)),
            full((1, H)),
            full((B, DOC)),
            full((DOC, H)),
            full((1, H)),
            full((1, 2 * H)),
            full((1, 2 * H)),
            full((2 * H, H)),
            full((1, H)),
            full((H, OUT)),
            full((1, OUT)),
            full((H, 1)),
            full((1, 1)),
        ],
        out_specs=[
            pl.BlockSpec((B, OUT), lambda i: (0, 0)),
            pl.BlockSpec((B, 1), lambda i: (0, 0)),
        ],
        out_shape=[
            jax.ShapeDtypeStruct((B, OUT), jnp.float32),
            jax.ShapeDtypeStruct((B, 1), jnp.float32),
        ],
        scratch_shapes=[
            pltpu.VMEM((B, H), jnp.float32),
            pltpu.VMEM((B, 1), jnp.float32),
        ],
    )(accs, g, dinv, batch2, b_gcn, doc, w_doc, b_doc,
      ln_g, ln_b, w_fus, b_fus, w_task, b_task, w_time, b_time)


def kernel(x, edge_index, batch, doc_features, W_gcn, b_gcn, W_doc, b_doc,
           ln_g, ln_b, W_fus, b_fus, W_task, b_task, W_time, b_time):
    src = edge_index[0].reshape(NW, EPW)
    dst = edge_index[1].reshape(NW, NCHUNK, K)
    dst_flat = edge_index[1].reshape(NW, EPW)
    zeros_npad = jnp.zeros((NPAD,), jnp.float32)

    deg_kernel, agg_kernel = _sc_kernels()
    degs = deg_kernel(dst_flat, zeros_npad)
    g, dinv = _phase_b(x, W_gcn, degs.T)
    accs = agg_kernel(src, dst, g)

    task, time = _phase_d(
        accs, g, dinv, batch.reshape(N, 1),
        b_gcn.reshape(1, H), doc_features, W_doc, b_doc.reshape(1, H),
        ln_g.reshape(1, 2 * H), ln_b.reshape(1, 2 * H),
        W_fus, b_fus.reshape(1, H), W_task, b_task.reshape(1, OUT),
        W_time, b_time.reshape(1, 1))
    return task, time

# --- scband reference (transcript-rebuilt; emitter-appended) ---
"""Pipeline reference for scband-gcn2-pr-21053929685346 (READ-ONLY COPY).

The authoritative reference and input builder live on the scoring server;
editing this copy changes nothing except your own understanding.
"""

import jax, jax.numpy as jnp
import numpy as np

N = 10000
E = 320000
D = 128
H = 128
B = 64
OUT = 16
DOC = 128


def setup_inputs(seed: int = 0) -> dict:
    key = jax.random.key(seed)
    ks = jax.random.split(key, 16)
    x = jax.random.normal(ks[0], (N, D), dtype=jnp.float32)
    edge_index = jax.random.randint(ks[1], (2, E), 0, N, dtype=jnp.int32)
    batch = jnp.sort(jax.random.randint(ks[2], (N,), 0, B, dtype=jnp.int32))
    doc_features = jax.random.normal(ks[3], (B, DOC), dtype=jnp.float32)
    # learned parameters (torch Linear math done as x @ W + b with W[in,out])
    W_gcn = jax.random.normal(ks[4], (D, H), dtype=jnp.float32) / np.sqrt(D)
    b_gcn = jnp.zeros((H,), dtype=jnp.float32)
    W_doc = jax.random.normal(ks[5], (DOC, H), dtype=jnp.float32) / np.sqrt(DOC)
    b_doc = jnp.zeros((H,), dtype=jnp.float32)
    ln_g = jnp.ones((2 * H,), dtype=jnp.float32)
    ln_b = jnp.zeros((2 * H,), dtype=jnp.float32)
    W_fus = jax.random.normal(ks[6], (2 * H, H), dtype=jnp.float32) / np.sqrt(2 * H)
    b_fus = jnp.zeros((H,), dtype=jnp.float32)
    W_task = jax.random.normal(ks[7], (H, OUT), dtype=jnp.float32) / np.sqrt(H)
    b_task = jnp.zeros((OUT,), dtype=jnp.float32)
    W_time = jax.random.normal(ks[8], (H, 1), dtype=jnp.float32) / np.sqrt(H)
    b_time = jnp.zeros((1,), dtype=jnp.float32)
    return {"x": x, "edge_index": edge_index, "batch": batch, "doc_features": doc_features,
            "W_gcn": W_gcn, "b_gcn": b_gcn, "W_doc": W_doc, "b_doc": b_doc,
            "ln_g": ln_g, "ln_b": ln_b, "W_fus": W_fus, "b_fus": b_fus,
            "W_task": W_task, "b_task": b_task, "W_time": W_time, "b_time": b_time}


def _gcn_conv(x, edge_index, W, b):
    # PyG GCNConv: add self-loops, sym-normalized aggregation, then bias
    src = edge_index[0]
    dst = edge_index[1]
    loop = jnp.arange(N, dtype=src.dtype)
    src = jnp.concatenate([src, loop])
    dst = jnp.concatenate([dst, loop])
    deg = jnp.zeros((N,), dtype=jnp.float32).at[dst].add(1.0)
    dinv = jnp.where(deg > 0, jax.lax.rsqrt(jnp.maximum(deg, 1e-12)), 0.0)
    norm = dinv[src] * dinv[dst]
    h = x @ W
    out = jnp.zeros((N, h.shape[1]), dtype=h.dtype).at[dst].add(norm[:, None] * h[src])
    return out + b


def _global_mean_pool(h, batch):
    counts = jnp.zeros((B,), dtype=jnp.float32).at[batch].add(1.0)
    summed = jnp.zeros((B, h.shape[1]), dtype=h.dtype).at[batch].add(h)
    return summed / jnp.maximum(counts, 1.0)[:, None]


def _layernorm(z, g, b, eps=1e-5):
    mu = jnp.mean(z, axis=-1, keepdims=True)
    var = jnp.mean((z - mu) ** 2, axis=-1, keepdims=True)
    return (z - mu) * jax.lax.rsqrt(var + eps) * g + b


def reference(x, edge_index, batch, doc_features, W_gcn, b_gcn, W_doc, b_doc,
              ln_g, ln_b, W_fus, b_fus, W_task, b_task, W_time, b_time):
    h = jax.nn.relu(_gcn_conv(x, edge_index, W_gcn, b_gcn))
    pooled = _global_mean_pool(h, batch)
    doc_emb = jax.nn.relu(doc_features @ W_doc + b_doc)
    z = jnp.concatenate([pooled, doc_emb], axis=1)
    z = _layernorm(z, ln_g, ln_b)
    f = jax.nn.relu(z @ W_fus + b_fus)
    # dropout is identity in eval mode
    return (f @ W_task + b_task, f @ W_time + b_time)

if __name__ == "__main__":
    import jax
    _d = setup_inputs()
    print(jax.jit(kernel)(*tuple(_d.values())))

</pallas_src>

<mosaic_0001>
#map = affine_map<(d0, d1) -> (0, 0)>
#map1 = affine_map<(d0, d1) -> (0)>
module attributes {stable_mosaic.version = 14 : i64} {
  func.func @_deg_body(%arg0: i32, %arg1: i32, %arg2: memref<32x10000xi32, #tpu.memory_space<hbm>>, %arg3: memref<10240xf32, #tpu.memory_space<hbm>>, %arg4: memref<32x10240xf32, #tpu.memory_space<hbm>>, %arg5: memref<10000xi32, #tpu.memory_space<vmem>>, %arg6: memref<10240xf32, #tpu.memory_space<vmem>>) attributes {dimension_semantics = [#tpu.dimension_semantics<core_parallel>, #tpu.dimension_semantics<subcore_parallel>], iteration_bounds = array<i64: 2, 16>, scalar_prefetch = 0 : i64, scratch_operands = 2 : i64, tpu.core_type = #tpu.core_type<sc_vector_subcore>, window_params = [{transform_indices = #map}, {transform_indices = #map1}, {transform_indices = #map}]} {
    %mul3A = arith.constant 16 : i32
    %mul3A_0 = arith.muli %arg0, %mul3A : i32
    %add3A = arith.addi %mul3A_0, %arg1 : i32
    "tpu.region"() ({
      %run_scoped3A = tpu.sem_alloc : memref<!tpu.dma_semaphore, #tpu.memory_space<semaphore_mem>>
      tpu.enqueue_dma source(%arg3 : memref<10240xf32, #tpu.memory_space<hbm>>) target(%arg6 : memref<10240xf32, #tpu.memory_space<vmem>>) target_semaphore(%run_scoped3A : memref<!tpu.dma_semaphore, #tpu.memory_space<semaphore_mem>>)
      tpu.wait_dma2 semaphore(%run_scoped3A : memref<!tpu.dma_semaphore, #tpu.memory_space<semaphore_mem>>) src(%arg3 : memref<10240xf32, #tpu.memory_space<hbm>>) dst(%arg6 : memref<10240xf32, #tpu.memory_space<vmem>>)
      tpu.yield
    }) : () -> ()
    "tpu.region"() ({
      %run_scoped3A = tpu.sem_alloc : memref<!tpu.dma_semaphore, #tpu.memory_space<semaphore_mem>>
      %dma_start3A = arith.constant 0 : i32
      %dma_start3A_7 = tpu.memref_slice %arg2[%add3A, %dma_start3A] : memref<32x10000xi32, #tpu.memory_space<hbm>> -> memref<1x10000xi32, #tpu.memory_space<hbm>>
      %dma_start3A_8 = tpu.memref_squeeze %dma_start3A_7 : memref<1x10000xi32, #tpu.memory_space<hbm>> -> memref<10000xi32, #tpu.memory_space<hbm>>
      %dma_start3A_9 = arith.constant 0 : i32
      %dma_start3A_10 = tpu.memref_slice %arg2[%add3A, %dma_start3A_9] : memref<32x10000xi32, #tpu.memory_space<hbm>> -> memref<1x10000xi32, #tpu.memory_space<hbm>>
      %dma_start3A_11 = tpu.memref_squeeze %dma_start3A_10 : memref<1x10000xi32, #tpu.memory_space<hbm>> -> memref<10000xi32, #tpu.memory_space<hbm>>
      tpu.enqueue_dma source(%dma_start3A_11 : memref<10000xi32, #tpu.memory_space<hbm>>) target(%arg5 : memref<10000xi32, #tpu.memory_space<vmem>>) target_semaphore(%run_scoped3A : memref<!tpu.dma_semaphore, #tpu.memory_space<semaphore_mem>>)
      %dma_wait3A = arith.constant 0 : i32
      %dma_wait3A_12 = tpu.memref_slice %arg2[%add3A, %dma_wait3A] : memref<32x10000xi32, #tpu.memory_space<hbm>> -> memref<1x10000xi32, #tpu.memory_space<hbm>>
      %dma_wait3A_13 = tpu.memref_squeeze %dma_wait3A_12 : memref<1x10000xi32, #tpu.memory_space<hbm>> -> memref<10000xi32, #tpu.memory_space<hbm>>
      %dma_wait3A_14 = arith.constant 0 : i32
      %dma_wait3A_15 = tpu.memref_slice %arg2[%add3A, %dma_wait3A_14] : memref<32x10000xi32, #tpu.memory_space<hbm>> -> memref<1x10000xi32, #tpu.memory_space<hbm>>
      %dma_wait3A_16 = tpu.memref_squeeze %dma_wait3A_15 : memref<1x10000xi32, #tpu.memory_space<hbm>> -> memref<10000xi32, #tpu.memory_space<hbm>>
      tpu.wait_dma2 semaphore(%run_scoped3A : memref<!tpu.dma_semaphore, #tpu.memory_space<semaphore_mem>>) src(%dma_wait3A_16 : memref<10000xi32, #tpu.memory_space<hbm>>) dst(%arg5 : memref<10000xi32, #tpu.memory_space<vmem>>)
      tpu.yield
    }) : () -> ()
    %broadcast_in_dim3A = arith.constant 1.000000e+00 : f32
    %broadcast_in_dim3A_1 = vector.broadcast %broadcast_in_dim3A : f32 to vector<16xf32>
    %scan3A = arith.constant 0 : i32
    %scan3A_2 = arith.constant 0 : i32
    %scan3A_3 = arith.constant 125 : i32
    %scan3A_4 = arith.addi %scan3A_2, %scan3A_3 : i32
    %scan3A_5 = arith.constant 1 : i32
    scf.for %scan3A_7 = %scan3A_2 to %scan3A_4 step %scan3A_5  : i32 {
      %mul3A_8 = arith.constant 80 : i32
      %mul3A_9 = arith.muli %scan3A_7, %mul3A_8 : i32
      %add3A_10 = arith.constant 0 : i32
      %add3A_11 = arith.addi %mul3A_9, %add3A_10 : i32
      %get3A = arith.index_cast %add3A_11 : i32 to index
      %get3A_12 = tpu.vector_load %arg5[%get3A] {strides = array<i32>} : memref<10000xi32, #tpu.memory_space<vmem>>, vector<16xi32>,
      tpu.vector_store_idx %arg6[%get3A_12], %broadcast_in_dim3A_1 {add = true} : memref<10240xf32, #tpu.memory_space<vmem>>[vector<16xi32>], vector<16xf32>,
      %mul3A_13 = arith.constant 80 : i32
      %mul3A_14 = arith.muli %scan3A_7, %mul3A_13 : i32
      %add3A_15 = arith.constant 16 : i32
      %add3A_16 = arith.addi %mul3A_14, %add3A_15 : i32
      %get3A_17 = arith.index_cast %add3A_16 : i32 to index
      %get3A_18 = tpu.vector_load %arg5[%get3A_17] {strides = array<i32>} : memref<10000xi32, #tpu.memory_space<vmem>>, vector<16xi32>,
      tpu.vector_store_idx %arg6[%get3A_18], %broadcast_in_dim3A_1 {add = true} : memref<10240xf32, #tpu.memory_space<vmem>>[vector<16xi32>], vector<16xf32>,
      %mul3A_19 = arith.constant 80 : i32
      %mul3A_20 = arith.muli %scan3A_7, %mul3A_19 : i32
      %add3A_21 = arith.constant 32 : i32
      %add3A_22 = arith.addi %mul3A_20, %add3A_21 : i32
      %get3A_23 = arith.index_cast %add3A_22 : i32 to index
      %get3A_24 = tpu.vector_load %arg5[%get3A_23] {strides = array<i32>} : memref<10000xi32, #tpu.memory_space<vmem>>, vector<16xi32>,
      tpu.vector_store_idx %arg6[%get3A_24], %broadcast_in_dim3A_1 {add = true} : memref<10240xf32, #tpu.memory_space<vmem>>[vector<16xi32>], vector<16xf32>,
      %mul3A_25 = arith.constant 80 : i32
      %mul3A_26 = arith.muli %scan3A_7, %mul3A_25 : i32
      %add3A_27 = arith.constant 48 : i32
      %add3A_28 = arith.addi %mul3A_26, %add3A_27 : i32
      %get3A_29 = arith.index_cast %add3A_28 : i32 to index
      %get3A_30 = tpu.vector_load %arg5[%get3A_29] {strides = array<i32>} : memref<10000xi32, #tpu.memory_space<vmem>>, vector<16xi32>,
      tpu.vector_store_idx %arg6[%get3A_30], %broadcast_in_dim3A_1 {add = true} : memref<10240xf32, #tpu.memory_space<vmem>>[vector<16xi32>], vector<16xf32>,
      %mul3A_31 = arith.constant 80 : i32
      %mul3A_32 = arith.muli %scan3A_7, %mul3A_31 : i32
      %add3A_33 = arith.constant 64 : i32
      %add3A_34 = arith.addi %mul3A_32, %add3A_33 : i32
      %get3A_35 = arith.index_cast %add3A_34 : i32 to index
      %get3A_36 = tpu.vector_load %arg5[%get3A_35] {strides = array<i32>} : memref<10000xi32, #tpu.memory_space<vmem>>, vector<16xi32>,
      tpu.vector_store_idx %arg6[%get3A_36], %broadcast_in_dim3A_1 {add = true} : memref<10240xf32, #tpu.memory_space<vmem>>[vector<16xi32>], vector<16xf32>,
    }
    %scan3A_6 = arith.constant 125 : i32
    "tpu.region"() ({
      %run_scoped3A = tpu.sem_alloc : memref<!tpu.dma_semaphore, #tpu.memory_space<semaphore_mem>>
      %dma_start3A = arith.constant 0 : i32
      %dma_start3A_7 = tpu.memref_slice %arg4[%add3A, %dma_start3A] : memref<32x10240xf32, #tpu.memory_space<hbm>> -> memref<1x10240xf32, #tpu.memory_space<hbm>>
      %dma_start3A_8 = tpu.memref_squeeze %dma_start3A_7 : memref<1x10240xf32, #tpu.memory_space<hbm>> -> memref<10240xf32, #tpu.memory_space<hbm>>
      %dma_start3A_9 = arith.constant 0 : i32
      %dma_start3A_10 = tpu.memref_slice %arg4[%add3A, %dma_start3A_9] : memref<32x10240xf32, #tpu.memory_space<hbm>> -> memref<1x10240xf32, #tpu.memory_space<hbm>>
      %dma_start3A_11 = tpu.memref_squeeze %dma_start3A_10 : memref<1x10240xf32, #tpu.memory_space<hbm>> -> memref<10240xf32, #tpu.memory_space<hbm>>
      tpu.enqueue_dma source(%arg6 : memref<10240xf32, #tpu.memory_space<vmem>>) target(%dma_start3A_11 : memref<10240xf32, #tpu.memory_space<hbm>>) target_semaphore(%run_scoped3A : memref<!tpu.dma_semaphore, #tpu.memory_space<semaphore_mem>>)
      %dma_wait3A = arith.constant 0 : i32
      %dma_wait3A_12 = tpu.memref_slice %arg4[%add3A, %dma_wait3A] : memref<32x10240xf32, #tpu.memory_space<hbm>> -> memref<1x10240xf32, #tpu.memory_space<hbm>>
      %dma_wait3A_13 = tpu.memref_squeeze %dma_wait3A_12 : memref<1x10240xf32, #tpu.memory_space<hbm>> -> memref<10240xf32, #tpu.memory_space<hbm>>
      %dma_wait3A_14 = arith.constant 0 : i32
      %dma_wait3A_15 = tpu.memref_slice %arg4[%add3A, %dma_wait3A_14] : memref<32x10240xf32, #tpu.memory_space<hbm>> -> memref<1x10240xf32, #tpu.memory_space<hbm>>
      %dma_wait3A_16 = tpu.memref_squeeze %dma_wait3A_15 : memref<1x10240xf32, #tpu.memory_space<hbm>> -> memref<10240xf32, #tpu.memory_space<hbm>>
      tpu.wait_dma2 semaphore(%run_scoped3A : memref<!tpu.dma_semaphore, #tpu.memory_space<semaphore_mem>>) src(%arg6 : memref<10240xf32, #tpu.memory_space<vmem>>) dst(%dma_wait3A_16 : memref<10240xf32, #tpu.memory_space<hbm>>)
      tpu.yield
    }) : () -> ()
    return
  }
}

#map = affine_map<(d0, d1) -> (0, 0)>
#map1 = affine_map<(d0, d1) -> (0, 0, 0)>
module attributes {stable_mosaic.version = 14 : i64} {
  func.func @_agg_body(%arg0: i32, %arg1: i32, %arg2: memref<32x10000xi32, #tpu.memory_space<hbm>>, %arg3: memref<32x125x80xi32, #tpu.memory_space<hbm>>, %arg4: memref<10000x128xf32, #tpu.memory_space<hbm>>, %arg5: memref<2x10240x128xf32, #tpu.memory_space<hbm>>, %arg6: memref<10000xi32, #tpu.memory_space<vmem>>, %arg7: memref<125x80xi32, #tpu.memory_space<vmem>>, %arg8: memref<80x128xf32, #tpu.memory_space<vmem>>, %arg9: memref<80x128xf32, #tpu.memory_space<vmem>>, %arg10: memref<!tpu.dma_semaphore, #tpu.memory_space<semaphore_mem>>, %arg11: memref<!tpu.dma_semaphore, #tpu.memory_space<semaphore_mem>>, %arg12: memref<!tpu.dma_semaphore, #tpu.memory_space<semaphore_mem>>, %arg13: memref<!tpu.dma_semaphore, #tpu.memory_space<semaphore_mem>>, %arg14: memref<10240x128xf32, #tpu.memory_space<vmem_shared>>) attributes {dimension_semantics = [#tpu.dimension_semantics<core_parallel>, #tpu.dimension_semantics<subcore_parallel>], iteration_bounds = array<i64: 2, 16>, scalar_prefetch = 0 : i64, scratch_operands = 9 : i64, tpu.core_type = #tpu.core_type<sc_vector_subcore>, window_params = [{transform_indices = #map}, {transform_indices = #map1}, {transform_indices = #map}, {transform_indices = #map1}]} {
    %mul3A = arith.constant 16 : i32
    %mul3A_0 = arith.muli %arg0, %mul3A : i32
    %add3A = arith.addi %mul3A_0, %arg1 : i32
    %broadcast_in_dim3A = arith.constant 0.000000e+00 : f32
    %broadcast_in_dim3A_1 = vector.broadcast %broadcast_in_dim3A : f32 to vector<16xf32>
    %scan3A = arith.constant 0 : i32
    %scan3A_2 = arith.constant 0 : i32
    %scan3A_3 = arith.constant 640 : i32
    %scan3A_4 = arith.addi %scan3A_2, %scan3A_3 : i32
    %scan3A_5 = arith.constant 1 : i32
    scf.for %scan3A_39 = %scan3A_2 to %scan3A_4 step %scan3A_5  : i32 {
      %jit3A = arith.constant 8 : i32
      %div3A = arith.divsi %scan3A_39, %jit3A : i32
      %sign3A = arith.constant 0 : i32
      %sign3A_40 = arith.cmpi sgt, %scan3A_39, %sign3A : i32
      %sign3A_41 = arith.extui %sign3A_40 : i1 to i32
      %sign3A_42 = arith.constant 0 : i32
      %sign3A_43 = arith.cmpi slt, %scan3A_39, %sign3A_42 : i32
      %sign3A_44 = arith.extui %sign3A_43 : i1 to i32
      %sign3A_45 = arith.subi %sign3A_41, %sign3A_44 : i32
      %sign3A_46 = arith.constant 0 : i32
      %sign3A_47 = arith.cmpi sgt, %jit3A, %sign3A_46 : i32
      %sign3A_48 = arith.extui %sign3A_47 : i1 to i32
      %sign3A_49 = arith.constant 0 : i32
      %sign3A_50 = arith.cmpi slt, %jit3A, %sign3A_49 : i32
      %sign3A_51 = arith.extui %sign3A_50 : i1 to i32
      %sign3A_52 = arith.subi %sign3A_48, %sign3A_51 : i32
      %ne3A = arith.cmpi ne, %sign3A_45, %sign3A_52 : i32
      %rem3A = arith.remsi %scan3A_39, %jit3A : i32
      %ne3A_53 = arith.constant 0 : i32
      %ne3A_54 = arith.cmpi ne, %rem3A, %ne3A_53 : i32
      %and3A = arith.andi %ne3A, %ne3A_54 : i1
      %sub3A = arith.constant 1 : i32
      %sub3A_55 = arith.subi %div3A, %sub3A : i32
      %select_n3A = arith.select %and3A, %sub3A_55, %div3A : i32
      %jit3A_56 = arith.constant 8 : i32
      %eq3A = arith.constant 0 : i32
      %eq3A_57 = arith.cmpi eq, %jit3A_56, %eq3A : i32
      %jit3A_58 = arith.constant 1 : i32
      %select_n3A_59 = arith.select %eq3A_57, %jit3A_58, %jit3A_56 : i32
      %rem3A_60 = arith.remsi %scan3A_39, %select_n3A_59 : i32
      %ne3A_61 = arith.constant 0 : i32
      %ne3A_62 = arith.cmpi ne, %rem3A_60, %ne3A_61 : i32
      %lt3A = arith.constant 0 : i32
      %lt3A_63 = arith.cmpi slt, %rem3A_60, %lt3A : i32
      %lt3A_64 = arith.constant 0 : i32
      %lt3A_65 = arith.cmpi slt, %select_n3A_59, %lt3A_64 : i32
      %ne3A_66 = arith.xori %lt3A_63, %lt3A_65 : i1
      %and3A_67 = arith.andi %ne3A_66, %ne3A_62 : i1
      %add3A_68 = arith.addi %rem3A_60, %select_n3A_59 : i32
      %select_n3A_69 = arith.select %and3A_67, %add3A_68, %rem3A_60 : i32
      %mul3A_70 = arith.constant 16 : i32
      %mul3A_71 = arith.muli %select_n3A_69, %mul3A_70 : i32
      %swap3A = arith.index_cast %select_n3A : i32 to index
      %swap3A_72 = arith.index_cast %mul3A_71 : i32 to index
      %swap3A_73 = tpu.vector_load %arg8[%swap3A, %swap3A_72] {strides = array<i32>} : memref<80x128xf32, #tpu.memory_space<vmem>>, vector<1x16xf32>,
      %swap3A_74 = vector.shape_cast %swap3A_73 : vector<1x16xf32> to vector<16xf32>
      %swap3A_75 = vector.shape_cast %broadcast_in_dim3A_1 : vector<16xf32> to vector<1x16xf32>
      tpu.vector_store %arg8[%swap3A, %swap3A_72], %swap3A_75 {strides = array<i32>} : memref<80x128xf32, #tpu.memory_space<vmem>>, vector<1x16xf32>,
    }
    %scan3A_6 = arith.constant 640 : i32
    %scan3A_7 = arith.constant 0 : i32
    %scan3A_8 = arith.constant 0 : i32
    %scan3A_9 = arith.constant 8 : i32
    %scan3A_10 = arith.addi %scan3A_8, %scan3A_9 : i32
    %scan3A_11 = arith.constant 1 : i32
    scf.for %scan3A_39 = %scan3A_8 to %scan3A_10 step %scan3A_11  : i32 {
      %mul3A_40 = arith.constant 640 : i32
      %mul3A_41 = arith.muli %arg1, %mul3A_40 : i32
      %mul3A_42 = arith.constant 80 : i32
      %mul3A_43 = arith.muli %scan3A_39, %mul3A_42 : i32
      %add3A_44 = arith.addi %mul3A_41, %mul3A_43 : i32
      "tpu.region"() ({
        %run_scoped3A_45 = tpu.sem_alloc : memref<!tpu.dma_semaphore, #tpu.memory_space<semaphore_mem>>
        %dma_start3A_46 = arith.constant 0 : i32
        %dma_start3A_47 = tpu.memref_slice %arg14[%add3A_44, %dma_start3A_46] : memref<10240x128xf32, #tpu.memory_space<vmem_shared>> -> memref<80x128xf32, #tpu.memory_space<vmem_shared>>
        %dma_start3A_48 = arith.constant 0 : i32
        %dma_start3A_49 = tpu.memref_slice %arg14[%add3A_44, %dma_start3A_48] : memref<10240x128xf32, #tpu.memory_space<vmem_shared>> -> memref<80x128xf32, #tpu.memory_space<vmem_shared>>
        tpu.enqueue_dma source(%arg8 : memref<80x128xf32, #tpu.memory_space<vmem>>) target(%dma_start3A_49 : memref<80x128xf32, #tpu.memory_space<vmem_shared>>) target_semaphore(%run_scoped3A_45 : memref<!tpu.dma_semaphore, #tpu.memory_space<semaphore_mem>>)
        %dma_wait3A_50 = arith.constant 0 : i32
        %dma_wait3A_51 = tpu.memref_slice %arg14[%add3A_44, %dma_wait3A_50] : memref<10240x128xf32, #tpu.memory_space<vmem_shared>> -> memref<80x128xf32, #tpu.memory_space<vmem_shared>>
        %dma_wait3A_52 = arith.constant 0 : i32
        %dma_wait3A_53 = tpu.memref_slice %arg14[%add3A_44, %dma_wait3A_52] : memref<10240x128xf32, #tpu.memory_space<vmem_shared>> -> memref<80x128xf32, #tpu.memory_space<vmem_shared>>
        tpu.wait_dma2 semaphore(%run_scoped3A_45 : memref<!tpu.dma_semaphore, #tpu.memory_space<semaphore_mem>>) src(%arg8 : memref<80x128xf32, #tpu.memory_space<vmem>>) dst(%dma_wait3A_53 : memref<80x128xf32, #tpu.memory_space<vmem_shared>>)
        tpu.yield
      }) : () -> ()
    }
    %scan3A_12 = arith.constant 8 : i32
    "tpu.region"() ({
      %run_scoped3A_39 = tpu.sem_alloc : memref<!tpu.dma_semaphore, #tpu.memory_space<semaphore_mem>>
      %dma_start3A_40 = arith.constant 0 : i32
      %dma_start3A_41 = tpu.memref_slice %arg2[%add3A, %dma_start3A_40] : memref<32x10000xi32, #tpu.memory_space<hbm>> -> memref<1x10000xi32, #tpu.memory_space<hbm>>
      %dma_start3A_42 = tpu.memref_squeeze %dma_start3A_41 : memref<1x10000xi32, #tpu.memory_space<hbm>> -> memref<10000xi32, #tpu.memory_space<hbm>>
      %dma_start3A_43 = arith.constant 0 : i32
      %dma_start3A_44 = tpu.memref_slice %arg2[%add3A, %dma_start3A_43] : memref<32x10000xi32, #tpu.memory_space<hbm>> -> memref<1x10000xi32, #tpu.memory_space<hbm>>
      %dma_start3A_45 = tpu.memref_squeeze %dma_start3A_44 : memref<1x10000xi32, #tpu.memory_space<hbm>> -> memref<10000xi32, #tpu.memory_space<hbm>>
      tpu.enqueue_dma source(%dma_start3A_45 : memref<10000xi32, #tpu.memory_space<hbm>>) target(%arg6 : memref<10000xi32, #tpu.memory_space<vmem>>) target_semaphore(%run_scoped3A_39 : memref<!tpu.dma_semaphore, #tpu.memory_space<semaphore_mem>>)
      %dma_wait3A_46 = arith.constant 0 : i32
      %dma_wait3A_47 = tpu.memref_slice %arg2[%add3A, %dma_wait3A_46] : memref<32x10000xi32, #tpu.memory_space<hbm>> -> memref<1x10000xi32, #tpu.memory_space<hbm>>
      %dma_wait3A_48 = tpu.memref_squeeze %dma_wait3A_47 : memref<1x10000xi32, #tpu.memory_space<hbm>> -> memref<10000xi32, #tpu.memory_space<hbm>>
      %dma_wait3A_49 = arith.constant 0 : i32
      %dma_wait3A_50 = tpu.memref_slice %arg2[%add3A, %dma_wait3A_49] : memref<32x10000xi32, #tpu.memory_space<hbm>> -> memref<1x10000xi32, #tpu.memory_space<hbm>>
      %dma_wait3A_51 = tpu.memref_squeeze %dma_wait3A_50 : memref<1x10000xi32, #tpu.memory_space<hbm>> -> memref<10000xi32, #tpu.memory_space<hbm>>
      tpu.wait_dma2 semaphore(%run_scoped3A_39 : memref<!tpu.dma_semaphore, #tpu.memory_space<semaphore_mem>>) src(%dma_wait3A_51 : memref<10000xi32, #tpu.memory_space<hbm>>) dst(%arg6 : memref<10000xi32, #tpu.memory_space<vmem>>)
      tpu.yield
    }) : () -> ()
    "tpu.region"() ({
      %run_scoped3A_39 = tpu.sem_alloc : memref<!tpu.dma_semaphore, #tpu.memory_space<semaphore_mem>>
      %dma_start3A_40 = arith.constant 0 : i32
      %dma_start3A_41 = arith.constant 0 : i32
      %dma_start3A_42 = tpu.memref_slice %arg3[%add3A, %dma_start3A_40, %dma_start3A_41] : memref<32x125x80xi32, #tpu.memory_space<hbm>> -> memref<1x125x80xi32, #tpu.memory_space<hbm>>
      %dma_start3A_43 = tpu.memref_squeeze %dma_start3A_42 : memref<1x125x80xi32, #tpu.memory_space<hbm>> -> memref<125x80xi32, #tpu.memory_space<hbm>>
      %dma_start3A_44 = arith.constant 0 : i32
      %dma_start3A_45 = arith.constant 0 : i32
      %dma_start3A_46 = tpu.memref_slice %arg3[%add3A, %dma_start3A_44, %dma_start3A_45] : memref<32x125x80xi32, #tpu.memory_space<hbm>> -> memref<1x125x80xi32, #tpu.memory_space<hbm>>
      %dma_start3A_47 = tpu.memref_squeeze %dma_start3A_46 : memref<1x125x80xi32, #tpu.memory_space<hbm>> -> memref<125x80xi32, #tpu.memory_space<hbm>>
      tpu.enqueue_dma source(%dma_start3A_47 : memref<125x80xi32, #tpu.memory_space<hbm>>) target(%arg7 : memref<125x80xi32, #tpu.memory_space<vmem>>) target_semaphore(%run_scoped3A_39 : memref<!tpu.dma_semaphore, #tpu.memory_space<semaphore_mem>>)
      %dma_wait3A_48 = arith.constant 0 : i32
      %dma_wait3A_49 = arith.constant 0 : i32
      %dma_wait3A_50 = tpu.memref_slice %arg3[%add3A, %dma_wait3A_48, %dma_wait3A_49] : memref<32x125x80xi32, #tpu.memory_space<hbm>> -> memref<1x125x80xi32, #tpu.memory_space<hbm>>
      %dma_wait3A_51 = tpu.memref_squeeze %dma_wait3A_50 : memref<1x125x80xi32, #tpu.memory_space<hbm>> -> memref<125x80xi32, #tpu.memory_space<hbm>>
      %dma_wait3A_52 = arith.constant 0 : i32
      %dma_wait3A_53 = arith.constant 0 : i32
      %dma_wait3A_54 = tpu.memref_slice %arg3[%add3A, %dma_wait3A_52, %dma_wait3A_53] : memref<32x125x80xi32, #tpu.memory_space<hbm>> -> memref<1x125x80xi32, #tpu.memory_space<hbm>>
      %dma_wait3A_55 = tpu.memref_squeeze %dma_wait3A_54 : memref<1x125x80xi32, #tpu.memory_space<hbm>> -> memref<125x80xi32, #tpu.memory_space<hbm>>
      tpu.wait_dma2 semaphore(%run_scoped3A_39 : memref<!tpu.dma_semaphore, #tpu.memory_space<semaphore_mem>>) src(%dma_wait3A_55 : memref<125x80xi32, #tpu.memory_space<hbm>>) dst(%arg7 : memref<125x80xi32, #tpu.memory_space<vmem>>)
      tpu.yield
    }) : () -> ()
    %barrier3A = arith.constant 0 : index
    tpu.barrier barrier_id(%barrier3A)
    %multiple_of3A = arith.constant 0 : i32
    %multiple_of3A_13 = tpu.assume_multiple %multiple_of3A, 80 : i32
    %dma_start3A = tpu.memref_slice %arg6[%multiple_of3A_13] : memref<10000xi32, #tpu.memory_space<vmem>> -> memref<80xi32, #tpu.memory_space<vmem>>
    %dma_start3A_14 = arith.constant 0 : i32
    %dma_start3A_15 = arith.constant 0 : i32
    %dma_start3A_16 = tpu.memref_slice %arg4[%dma_start3A_14, %dma_start3A_15] : memref<10000x128xf32, #tpu.memory_space<hbm>> -> memref<10000x128xf32, #tpu.memory_space<hbm>>
    tpu.enqueue_indirect_dma source(%dma_start3A_16 : memref<10000x128xf32, #tpu.memory_space<hbm>>) target(%arg8 : memref<80x128xf32, #tpu.memory_space<vmem>>) offsets(%dma_start3A : memref<80xi32, #tpu.memory_space<vmem>>) semaphore(%arg10 : memref<!tpu.dma_semaphore, #tpu.memory_space<semaphore_mem>>)
    %multiple_of3A_17 = arith.constant 80 : i32
    %multiple_of3A_18 = tpu.assume_multiple %multiple_of3A_17, 80 : i32
    %dma_start3A_19 = tpu.memref_slice %arg6[%multiple_of3A_18] : memref<10000xi32, #tpu.memory_space<vmem>> -> memref<80xi32, #tpu.memory_space<vmem>>
    %dma_start3A_20 = arith.constant 0 : i32
    %dma_start3A_21 = arith.constant 0 : i32
    %dma_start3A_22 = tpu.memref_slice %arg4[%dma_start3A_20, %dma_start3A_21] : memref<10000x128xf32, #tpu.memory_space<hbm>> -> memref<10000x128xf32, #tpu.memory_space<hbm>>
    tpu.enqueue_indirect_dma source(%dma_start3A_22 : memref<10000x128xf32, #tpu.memory_space<hbm>>) target(%arg9 : memref<80x128xf32, #tpu.memory_space<vmem>>) offsets(%dma_start3A_19 : memref<80xi32, #tpu.memory_space<vmem>>) semaphore(%arg11 : memref<!tpu.dma_semaphore, #tpu.memory_space<semaphore_mem>>)
    %scan3A_23 = arith.constant 0 : i32
    %scan3A_24 = arith.constant 0 : i32
    %scan3A_25 = arith.constant 62 : i32
    %scan3A_26 = arith.addi %scan3A_24, %scan3A_25 : i32
    %scan3A_27 = arith.constant 1 : i32
    scf.for %scan3A_39 = %scan3A_24 to %scan3A_26 step %scan3A_27  : i32 {
      %mul3A_40 = arith.constant 2 : i32
      %mul3A_41 = arith.muli %scan3A_39, %mul3A_40 : i32
      %add3A_42 = arith.constant 1 : i32
      %add3A_43 = arith.addi %mul3A_41, %add3A_42 : i32
      %mul3A_44 = arith.constant 80 : i32
      %mul3A_45 = arith.muli %mul3A_41, %mul3A_44 : i32
      %multiple_of3A_46 = tpu.assume_multiple %mul3A_45, 80 : i32
      %dma_wait3A_47 = tpu.memref_slice %arg6[%multiple_of3A_46] : memref<10000xi32, #tpu.memory_space<vmem>> -> memref<80xi32, #tpu.memory_space<vmem>>
      %dma_wait3A_48 = arith.constant 0 : i32
      %dma_wait3A_49 = arith.constant 0 : i32
      %dma_wait3A_50 = tpu.memref_slice %arg4[%dma_wait3A_48, %dma_wait3A_49] : memref<10000x128xf32, #tpu.memory_space<hbm>> -> memref<10000x128xf32, #tpu.memory_space<hbm>>
      tpu.wait_indirect_dma semaphore(%arg10 : memref<!tpu.dma_semaphore, #tpu.memory_space<semaphore_mem>>) src(%dma_wait3A_50 : memref<10000x128xf32, #tpu.memory_space<hbm>>) dst(%arg8 : memref<80x128xf32, #tpu.memory_space<vmem>>)
      %dma_start3A_51 = arith.constant 0 : i32
      %dma_start3A_52 = tpu.memref_slice %arg7[%mul3A_41, %dma_start3A_51] : memref<125x80xi32, #tpu.memory_space<vmem>> -> memref<1x80xi32, #tpu.memory_space<vmem>>
      %dma_start3A_53 = tpu.memref_squeeze %dma_start3A_52 : memref<1x80xi32, #tpu.memory_space<vmem>> -> memref<80xi32, #tpu.memory_space<vmem>>
      %dma_start3A_54 = arith.constant 0 : i32
      %dma_start3A_55 = arith.constant 0 : i32
      %dma_start3A_56 = tpu.memref_slice %arg14[%dma_start3A_54, %dma_start3A_55] : memref<10240x128xf32, #tpu.memory_space<vmem_shared>> -> memref<10240x128xf32, #tpu.memory_space<vmem_shared>>
      tpu.enqueue_indirect_dma source(%arg8 : memref<80x128xf32, #tpu.memory_space<vmem>>) target(%dma_start3A_56 : memref<10240x128xf32, #tpu.memory_space<vmem_shared>>) offsets(%dma_start3A_53 : memref<80xi32, #tpu.memory_space<vmem>>) semaphore(%arg12 : memref<!tpu.dma_semaphore, #tpu.memory_space<semaphore_mem>>) {add = true}
      %mul3A_57 = arith.constant 80 : i32
      %mul3A_58 = arith.muli %add3A_43, %mul3A_57 : i32
      %multiple_of3A_59 = tpu.assume_multiple %mul3A_58, 80 : i32
      %dma_wait3A_60 = tpu.memref_slice %arg6[%multiple_of3A_59] : memref<10000xi32, #tpu.memory_space<vmem>> -> memref<80xi32, #tpu.memory_space<vmem>>
      %dma_wait3A_61 = arith.constant 0 : i32
      %dma_wait3A_62 = arith.constant 0 : i32
      %dma_wait3A_63 = tpu.memref_slice %arg4[%dma_wait3A_61, %dma_wait3A_62] : memref<10000x128xf32, #tpu.memory_space<hbm>> -> memref<10000x128xf32, #tpu.memory_space<hbm>>
      tpu.wait_indirect_dma semaphore(%arg11 : memref<!tpu.dma_semaphore, #tpu.memory_space<semaphore_mem>>) src(%dma_wait3A_63 : memref<10000x128xf32, #tpu.memory_space<hbm>>) dst(%arg9 : memref<80x128xf32, #tpu.memory_space<vmem>>)
      %dma_start3A_64 = arith.constant 0 : i32
      %dma_start3A_65 = tpu.memref_slice %arg7[%add3A_43, %dma_start3A_64] : memref<125x80xi32, #tpu.memory_space<vmem>> -> memref<1x80xi32, #tpu.memory_space<vmem>>
      %dma_start3A_66 = tpu.memref_squeeze %dma_start3A_65 : memref<1x80xi32, #tpu.memory_space<vmem>> -> memref<80xi32, #tpu.memory_space<vmem>>
      %dma_start3A_67 = arith.constant 0 : i32
      %dma_start3A_68 = arith.constant 0 : i32
      %dma_start3A_69 = tpu.memref_slice %arg14[%dma_start3A_67, %dma_start3A_68] : memref<10240x128xf32, #tpu.memory_space<vmem_shared>> -> memref<10240x128xf32, #tpu.memory_space<vmem_shared>>
      tpu.enqueue_indirect_dma source(%arg9 : memref<80x128xf32, #tpu.memory_space<vmem>>) target(%dma_start3A_69 : memref<10240x128xf32, #tpu.memory_space<vmem_shared>>) offsets(%dma_start3A_66 : memref<80xi32, #tpu.memory_space<vmem>>) semaphore(%arg13 : memref<!tpu.dma_semaphore, #tpu.memory_space<semaphore_mem>>) {add = true}
      %dma_wait3A_70 = arith.constant 0 : i32
      %dma_wait3A_71 = tpu.memref_slice %arg7[%mul3A_41, %dma_wait3A_70] : memref<125x80xi32, #tpu.memory_space<vmem>> -> memref<1x80xi32, #tpu.memory_space<vmem>>
      %dma_wait3A_72 = tpu.memref_squeeze %dma_wait3A_71 : memref<1x80xi32, #tpu.memory_space<vmem>> -> memref<80xi32, #tpu.memory_space<vmem>>
      %dma_wait3A_73 = arith.constant 0 : i32
      %dma_wait3A_74 = arith.constant 0 : i32
      %dma_wait3A_75 = tpu.memref_slice %arg14[%dma_wait3A_73, %dma_wait3A_74] : memref<10240x128xf32, #tpu.memory_space<vmem_shared>> -> memref<10240x128xf32, #tpu.memory_space<vmem_shared>>
      tpu.wait_indirect_dma semaphore(%arg12 : memref<!tpu.dma_semaphore, #tpu.memory_space<semaphore_mem>>) src(%arg8 : memref<80x128xf32, #tpu.memory_space<vmem>>) dst(%dma_wait3A_75 : memref<10240x128xf32, #tpu.memory_space<vmem_shared>>)
      %add3A_76 = arith.constant 2 : i32
      %add3A_77 = arith.addi %mul3A_41, %add3A_76 : i32
      %mul3A_78 = arith.constant 80 : i32
      %mul3A_79 = arith.muli %add3A_77, %mul3A_78 : i32
      %multiple_of3A_80 = tpu.assume_multiple %mul3A_79, 80 : i32
      %dma_start3A_81 = tpu.memref_slice %arg6[%multiple_of3A_80] : memref<10000xi32, #tpu.memory_space<vmem>> -> memref<80xi32, #tpu.memory_space<vmem>>
      %dma_start3A_82 = arith.constant 0 : i32
      %dma_start3A_83 = arith.constant 0 : i32
      %dma_start3A_84 = tpu.memref_slice %arg4[%dma_start3A_82, %dma_start3A_83] : memref<10000x128xf32, #tpu.memory_space<hbm>> -> memref<10000x128xf32, #tpu.memory_space<hbm>>
      tpu.enqueue_indirect_dma source(%dma_start3A_84 : memref<10000x128xf32, #tpu.memory_space<hbm>>) target(%arg8 : memref<80x128xf32, #tpu.memory_space<vmem>>) offsets(%dma_start3A_81 : memref<80xi32, #tpu.memory_space<vmem>>) semaphore(%arg10 : memref<!tpu.dma_semaphore, #tpu.memory_space<semaphore_mem>>)
      %dma_wait3A_85 = arith.constant 0 : i32
      %dma_wait3A_86 = tpu.memref_slice %arg7[%add3A_43, %dma_wait3A_85] : memref<125x80xi32, #tpu.memory_space<vmem>> -> memref<1x80xi32, #tpu.memory_space<vmem>>
      %dma_wait3A_87 = tpu.memref_squeeze %dma_wait3A_86 : memref<1x80xi32, #tpu.memory_space<vmem>> -> memref<80xi32, #tpu.memory_space<vmem>>
      %dma_wait3A_88 = arith.constant 0 : i32
      %dma_wait3A_89 = arith.constant 0 : i32
      %dma_wait3A_90 = tpu.memref_slice %arg14[%dma_wait3A_88, %dma_wait3A_89] : memref<10240x128xf32, #tpu.memory_space<vmem_shared>> -> memref<10240x128xf32, #tpu.memory_space<vmem_shared>>
      tpu.wait_indirect_dma semaphore(%arg13 : memref<!tpu.dma_semaphore, #tpu.memory_space<semaphore_mem>>) src(%arg9 : memref<80x128xf32, #tpu.memory_space<vmem>>) dst(%dma_wait3A_90 : memref<10240x128xf32, #tpu.memory_space<vmem_shared>>)
      %add3A_91 = arith.constant 2 : i32
      %add3A_92 = arith.addi %add3A_43, %add3A_91 : i32
      %lt3A = arith.constant 125 : i32
      %lt3A_93 = arith.cmpi slt, %add3A_92, %lt3A : i32
      %convert_element_type3A = arith.extui %lt3A_93 : i1 to i32
      %cond3A = arith.constant 0 : i32
      %cond3A_94 = arith.cmpi ne, %convert_element_type3A, %cond3A : i32
      scf.if %cond3A_94 {
        %add3A_95 = arith.constant 2 : i32
        %add3A_96 = arith.addi %add3A_43, %add3A_95 : i32
        %mul3A_97 = arith.constant 80 : i32
        %mul3A_98 = arith.muli %add3A_96, %mul3A_97 : i32
        %multiple_of3A_99 = tpu.assume_multiple %mul3A_98, 80 : i32
        %dma_start3A_100 = tpu.memref_slice %arg6[%multiple_of3A_99] : memref<10000xi32, #tpu.memory_space<vmem>> -> memref<80xi32, #tpu.memory_space<vmem>>
        %dma_start3A_101 = arith.constant 0 : i32
        %dma_start3A_102 = arith.constant 0 : i32
        %dma_start3A_103 = tpu.memref_slice %arg4[%dma_start3A_101, %dma_start3A_102] : memref<10000x128xf32, #tpu.memory_space<hbm>> -> memref<10000x128xf32, #tpu.memory_space<hbm>>
        tpu.enqueue_indirect_dma source(%dma_start3A_103 : memref<10000x128xf32, #tpu.memory_space<hbm>>) target(%arg9 : memref<80x128xf32, #tpu.memory_space<vmem>>) offsets(%dma_start3A_100 : memref<80xi32, #tpu.memory_space<vmem>>) semaphore(%arg11 : memref<!tpu.dma_semaphore, #tpu.memory_space<semaphore_mem>>)
      } else {
      }
    }
    %scan3A_28 = arith.constant 62 : i32
    %multiple_of3A_29 = arith.constant 9920 : i32
    %multiple_of3A_30 = tpu.assume_multiple %multiple_of3A_29, 80 : i32
    %dma_wait3A = tpu.memref_slice %arg6[%multiple_of3A_30] : memref<10000xi32, #tpu.memory_space<vmem>> -> memref<80xi32, #tpu.memory_space<vmem>>
    %dma_wait3A_31 = arith.constant 0 : i32
    %dma_wait3A_32 = arith.constant 0 : i32
    %dma_wait3A_33 = tpu.memref_slice %arg4[%dma_wait3A_31, %dma_wait3A_32] : memref<10000x128xf32, #tpu.memory_space<hbm>> -> memref<10000x128xf32, #tpu.memory_space<hbm>>
    tpu.wait_indirect_dma semaphore(%arg10 : memref<!tpu.dma_semaphore, #tpu.memory_space<semaphore_mem>>) src(%dma_wait3A_33 : memref<10000x128xf32, #tpu.memory_space<hbm>>) dst(%arg8 : memref<80x128xf32, #tpu.memory_space<vmem>>)
    %run_scoped3A = arith.constant 124 : i32
    "tpu.region"() ({
      %run_scoped3A_39 = tpu.sem_alloc : memref<!tpu.dma_semaphore, #tpu.memory_space<semaphore_mem>>
      %dma_start3A_40 = arith.constant 0 : i32
      %dma_start3A_41 = tpu.memref_slice %arg7[%run_scoped3A, %dma_start3A_40] : memref<125x80xi32, #tpu.memory_space<vmem>> -> memref<1x80xi32, #tpu.memory_space<vmem>>
      %dma_start3A_42 = tpu.memref_squeeze %dma_start3A_41 : memref<1x80xi32, #tpu.memory_space<vmem>> -> memref<80xi32, #tpu.memory_space<vmem>>
      %dma_start3A_43 = arith.constant 0 : i32
      %dma_start3A_44 = arith.constant 0 : i32
      %dma_start3A_45 = tpu.memref_slice %arg14[%dma_start3A_43, %dma_start3A_44] : memref<10240x128xf32, #tpu.memory_space<vmem_shared>> -> memref<10240x128xf32, #tpu.memory_space<vmem_shared>>
      tpu.enqueue_indirect_dma source(%arg8 : memref<80x128xf32, #tpu.memory_space<vmem>>) target(%dma_start3A_45 : memref<10240x128xf32, #tpu.memory_space<vmem_shared>>) offsets(%dma_start3A_42 : memref<80xi32, #tpu.memory_space<vmem>>) semaphore(%run_scoped3A_39 : memref<!tpu.dma_semaphore, #tpu.memory_space<semaphore_mem>>) {add = true}
      %dma_wait3A_46 = arith.constant 0 : i32
      %dma_wait3A_47 = tpu.memref_slice %arg7[%run_scoped3A, %dma_wait3A_46] : memref<125x80xi32, #tpu.memory_space<vmem>> -> memref<1x80xi32, #tpu.memory_space<vmem>>
      %dma_wait3A_48 = tpu.memref_squeeze %dma_wait3A_47 : memref<1x80xi32, #tpu.memory_space<vmem>> -> memref<80xi32, #tpu.memory_space<vmem>>
      %dma_wait3A_49 = arith.constant 0 : i32
      %dma_wait3A_50 = arith.constant 0 : i32
      %dma_wait3A_51 = tpu.memref_slice %arg14[%dma_wait3A_49, %dma_wait3A_50] : memref<10240x128xf32, #tpu.memory_space<vmem_shared>> -> memref<10240x128xf32, #tpu.memory_space<vmem_shared>>
      tpu.wait_indirect_dma semaphore(%run_scoped3A_39 : memref<!tpu.dma_semaphore, #tpu.memory_space<semaphore_mem>>) src(%arg8 : memref<80x128xf32, #tpu.memory_space<vmem>>) dst(%dma_wait3A_51 : memref<10240x128xf32, #tpu.memory_space<vmem_shared>>)
      tpu.yield
    }) : () -> ()
    %barrier3A_34 = arith.constant 0 : index
    tpu.barrier barrier_id(%barrier3A_34)
    %mul3A_35 = arith.constant 640 : i32
    %mul3A_36 = arith.muli %arg1, %mul3A_35 : i32
    %mul3A_37 = arith.constant 640 : i32
    %mul3A_38 = arith.muli %arg1, %mul3A_37 : i32
    "tpu.region"() ({
      %run_scoped3A_39 = tpu.sem_alloc : memref<!tpu.dma_semaphore, #tpu.memory_space<semaphore_mem>>
      %dma_start3A_40 = arith.constant 0 : i32
      %dma_start3A_41 = tpu.memref_slice %arg5[%arg0, %mul3A_38, %dma_start3A_40] : memref<2x10240x128xf32, #tpu.memory_space<hbm>> -> memref<1x640x128xf32, #tpu.memory_space<hbm>>
      %dma_start3A_42 = tpu.memref_squeeze %dma_start3A_41 : memref<1x640x128xf32, #tpu.memory_space<hbm>> -> memref<640x128xf32, #tpu.memory_space<hbm>>
      %dma_start3A_43 = arith.constant 0 : i32
      %dma_start3A_44 = tpu.memref_slice %arg14[%mul3A_36, %dma_start3A_43] : memref<10240x128xf32, #tpu.memory_space<vmem_shared>> -> memref<640x128xf32, #tpu.memory_space<vmem_shared>>
      tpu.enqueue_dma source(%dma_start3A_44 : memref<640x128xf32, #tpu.memory_space<vmem_shared>>) target(%dma_start3A_42 : memref<640x128xf32, #tpu.memory_space<hbm>>) target_semaphore(%run_scoped3A_39 : memref<!tpu.dma_semaphore, #tpu.memory_space<semaphore_mem>>)
      %dma_wait3A_45 = arith.constant 0 : i32
      %dma_wait3A_46 = tpu.memref_slice %arg5[%arg0, %mul3A_38, %dma_wait3A_45] : memref<2x10240x128xf32, #tpu.memory_space<hbm>> -> memref<1x640x128xf32, #tpu.memory_space<hbm>>
      %dma_wait3A_47 = tpu.memref_squeeze %dma_wait3A_46 : memref<1x640x128xf32, #tpu.memory_space<hbm>> -> memref<640x128xf32, #tpu.memory_space<hbm>>
      %dma_wait3A_48 = arith.constant 0 : i32
      %dma_wait3A_49 = tpu.memref_slice %arg14[%mul3A_36, %dma_wait3A_48] : memref<10240x128xf32, #tpu.memory_space<vmem_shared>> -> memref<640x128xf32, #tpu.memory_space<vmem_shared>>
      tpu.wait_dma2 semaphore(%run_scoped3A_39 : memref<!tpu.dma_semaphore, #tpu.memory_space<semaphore_mem>>) src(%dma_wait3A_49 : memref<640x128xf32, #tpu.memory_space<vmem_shared>>) dst(%dma_wait3A_47 : memref<640x128xf32, #tpu.memory_space<hbm>>)
      tpu.yield
    }) : () -> ()
    return
  }
}

module attributes {stable_mosaic.version = 14 : i64} {
  func.func @_scale_body(%arg0: i32, %arg1: memref<5000x128xf32, #tpu.memory_space<vmem>>, %arg2: memref<128x128xf32, #tpu.memory_space<vmem>>, %arg3: memref<5000x32xf32, #tpu.memory_space<vmem>>, %arg4: memref<5000x128xf32, #tpu.memory_space<vmem>>, %arg5: memref<5000x1xf32, #tpu.memory_space<vmem>>) attributes {dimension_semantics = [#tpu.dimension_semantics<arbitrary>], iteration_bounds = array<i64: 2>, scalar_prefetch = 0 : i64, scratch_operands = 0 : i64, tpu.core_type = #tpu.core_type<tc>, window_params = [{transform_indices = @transform_0, window_bounds = array<i64: 5000, 128>}, {pipeline_mode = #tpu.pipeline_mode<synchronous>, transform_indices = @transform_1, window_bounds = array<i64: 128, 128>}, {transform_indices = @transform_2, window_bounds = array<i64: 5000, 32>}, {transform_indices = @transform_3, window_bounds = array<i64: 5000, 128>}, {transform_indices = @transform_4, window_bounds = array<i64: 5000, 1>}]} {
    %get3A = arith.constant 0 : index
    %get3A_0 = arith.constant 0 : index
    %get3A_1 = vector.load %arg3[%get3A, %get3A_0] : memref<5000x32xf32, #tpu.memory_space<vmem>>, vector<5000x32xf32>
    %reduce_sum3A = arith.constant dense<0.000000e+00> : vector<5000xf32>
    %reduce_sum3A_2 = vector.multi_reduction <add>, %get3A_1, %reduce_sum3A [1] : vector<5000x32xf32> to vector<5000xf32>
    %reshape3A = vector.shape_cast %reduce_sum3A_2 : vector<5000xf32> to vector<5000x1xf32>
    %add3A = arith.constant 1.000000e+00 : f32
    %add3A_3 = vector.broadcast %add3A : f32 to vector<5000x1xf32>
    %add3A_4 = arith.addf %reshape3A, %add3A_3 : vector<5000x1xf32>
    %rsqrt3A = math.rsqrt %add3A_4 : vector<5000x1xf32>
    %get3A_5 = arith.constant 0 : index
    %get3A_6 = arith.constant 0 : index
    %get3A_7 = vector.load %arg1[%get3A_5, %get3A_6] : memref<5000x128xf32, #tpu.memory_space<vmem>>, vector<5000x128xf32>
    %get3A_8 = arith.constant 0 : index
    %get3A_9 = arith.constant 0 : index
    %get3A_10 = vector.load %arg2[%get3A_8, %get3A_9] : memref<128x128xf32, #tpu.memory_space<vmem>>, vector<128x128xf32>
    %dot_general3A = arith.constant dense<0.000000e+00> : vector<5000x128xf32>
    %dot_general3A_11 = tpu.matmul %get3A_7, %get3A_10, %dot_general3A {dimension_numbers = #tpu.dot_dimension_numbers<[1], [0], [0], [1], [0, 0, 1, 1], [], []>, transpose_lhs_hint = false} : vector<5000x128xf32>, vector<128x128xf32>, vector<5000x128xf32> -> vector<5000x128xf32>
    %mul3A = vector.broadcast %rsqrt3A : vector<5000x1xf32> to vector<5000x128xf32>
    %mul3A_12 = arith.mulf %mul3A, %dot_general3A_11 : vector<5000x128xf32>
    %swap3A = arith.constant 0 : index
    %swap3A_13 = arith.constant 0 : index
    %swap3A_14 = vector.load %arg4[%swap3A, %swap3A_13] : memref<5000x128xf32, #tpu.memory_space<vmem>>, vector<5000x128xf32>
    tpu.vector_store %arg4[%swap3A, %swap3A_13], %mul3A_12 {strides = array<i32>} : memref<5000x128xf32, #tpu.memory_space<vmem>>, vector<5000x128xf32>,
    %swap3A_15 = arith.constant 0 : index
    %swap3A_16 = arith.constant 0 : index
    %swap3A_17 = vector.load %arg5[%swap3A_15, %swap3A_16] : memref<5000x1xf32, #tpu.memory_space<vmem>>, vector<5000x1xf32>
    tpu.vector_store %arg5[%swap3A_15, %swap3A_16], %rsqrt3A {strides = array<i32>} : memref<5000x1xf32, #tpu.memory_space<vmem>>, vector<5000x1xf32>,
    return
  }
  func.func @transform_0(%arg0: i32) -> (i32, i32) {
    %c0_i32 = arith.constant 0 : i32
    %c0_i32_0 = arith.constant 0 : i32
    return %arg0, %c0_i32 : i32, i32
  }
  func.func @transform_1(%arg0: i32) -> (i32, i32) {
    %c0_i32 = arith.constant 0 : i32
    %c0_i32_0 = arith.constant 0 : i32
    %c0_i32_1 = arith.constant 0 : i32
    return %c0_i32, %c0_i32_0 : i32, i32
  }
  func.func @transform_2(%arg0: i32) -> (i32, i32) {
    %c0_i32 = arith.constant 0 : i32
    %c0_i32_0 = arith.constant 0 : i32
    return %arg0, %c0_i32 : i32, i32
  }
  func.func @transform_3(%arg0: i32) -> (i32, i32) {
    %c0_i32 = arith.constant 0 : i32
    %c0_i32_0 = arith.constant 0 : i32
    return %arg0, %c0_i32 : i32, i32
  }
  func.func @transform_4(%arg0: i32) -> (i32, i32) {
    %c0_i32 = arith.constant 0 : i32
    %c0_i32_0 = arith.constant 0 : i32
    return %arg0, %c0_i32 : i32, i32
  }
}

module attributes {stable_mosaic.version = 14 : i64} {
  func.func @_tail_body(%arg0: i32, %arg1: memref<2x5000x128xf32, #tpu.memory_space<vmem>>, %arg2: memref<5000x128xf32, #tpu.memory_space<vmem>>, %arg3: memref<5000x1xf32, #tpu.memory_space<vmem>>, %arg4: memref<5000x1xi32, #tpu.memory_space<vmem>>, %arg5: memref<1x128xf32, #tpu.memory_space<vmem>>, %arg6: memref<64x128xf32, #tpu.memory_space<vmem>>, %arg7: memref<128x128xf32, #tpu.memory_space<vmem>>, %arg8: memref<1x128xf32, #tpu.memory_space<vmem>>, %arg9: memref<1x256xf32, #tpu.memory_space<vmem>>, %arg10: memref<1x256xf32, #tpu.memory_space<vmem>>, %arg11: memref<256x128xf32, #tpu.memory_space<vmem>>, %arg12: memref<1x128xf32, #tpu.memory_space<vmem>>, %arg13: memref<128x16xf32, #tpu.memory_space<vmem>>, %arg14: memref<1x16xf32, #tpu.memory_space<vmem>>, %arg15: memref<128x1xf32, #tpu.memory_space<vmem>>, %arg16: memref<1x1xf32, #tpu.memory_space<vmem>>, %arg17: memref<64x16xf32, #tpu.memory_space<vmem>>, %arg18: memref<64x1xf32, #tpu.memory_space<vmem>>, %arg19: memref<64x128xf32, #tpu.memory_space<vmem>>, %arg20: memref<64x1xf32, #tpu.memory_space<vmem>>) attributes {dimension_semantics = [#tpu.dimension_semantics<arbitrary>], iteration_bounds = array<i64: 2>, scalar_prefetch = 0 : i64, scratch_operands = 2 : i64, tpu.core_type = #tpu.core_type<tc>, window_params = [{transform_indices = @transform_0, window_bounds = array<i64: 2, 5000, 128>}, {transform_indices = @transform_1, window_bounds = array<i64: 5000, 128>}, {transform_indices = @transform_2, window_bounds = array<i64: 5000, 1>}, {transform_indices = @transform_3, window_bounds = array<i64: 5000, 1>}, {pipeline_mode = #tpu.pipeline_mode<synchronous>, transform_indices = @transform_4, window_bounds = array<i64: 1, 128>}, {pipeline_mode = #tpu.pipeline_mode<synchronous>, transform_indices = @transform_5, window_bounds = array<i64: 64, 128>}, {pipeline_mode = #tpu.pipeline_mode<synchronous>, transform_indices = @transform_6, window_bounds = array<i64: 128, 128>}, {pipeline_mode = #tpu.pipeline_mode<synchronous>, transform_indices = @transform_7, window_bounds = array<i64: 1, 128>}, {pipeline_mode = #tpu.pipeline_mode<synchronous>, transform_indices = @transform_8, window_bounds = array<i64: 1, 256>}, {pipeline_mode = #tpu.pipeline_mode<synchronous>, transform_indices = @transform_9, window_bounds = array<i64: 1, 256>}, {pipeline_mode = #tpu.pipeline_mode<synchronous>, transform_indices = @transform_10, window_bounds = array<i64: 256, 128>}, {pipeline_mode = #tpu.pipeline_mode<synchronous>, transform_indices = @transform_11, window_bounds = array<i64: 1, 128>}, {pipeline_mode = #tpu.pipeline_mode<synchronous>, transform_indices = @transform_12, window_bounds = array<i64: 128, 16>}, {pipeline_mode = #tpu.pipeline_mode<synchronous>, transform_indices = @transform_13, window_bounds = array<i64: 1, 16>}, {pipeline_mode = #tpu.pipeline_mode<synchronous>, transform_indices = @transform_14, window_bounds = array<i64: 128, 1>}, {pipeline_mode = #tpu.pipeline_mode<synchronous>, transform_indices = @transform_15, window_bounds = array<i64: 1, 1>}, {pipeline_mode = #tpu.pipeline_mode<synchronous>, transform_indices = @transform_16, window_bounds = array<i64: 64, 16>}, {pipeline_mode = #tpu.pipeline_mode<synchronous>, transform_indices = @transform_17, window_bounds = array<i64: 64, 1>}]} {
    %eq3A = arith.constant 0 : i32
    %eq3A_0 = arith.cmpi eq, %arg0, %eq3A : i32
    %convert_element_type3A = arith.extui %eq3A_0 : i1 to i32
    %cond3A = arith.constant 0 : i32
    %cond3A_1 = arith.cmpi ne, %convert_element_type3A, %cond3A : i32
    scf.if %cond3A_1 {
      %broadcast_in_dim3A_55 = arith.constant 0.000000e+00 : f32
      %broadcast_in_dim3A_56 = vector.broadcast %broadcast_in_dim3A_55 : f32 to vector<64x128xf32>
      %swap3A_57 = arith.constant 0 : index
      %swap3A_58 = arith.constant 0 : index
      %swap3A_59 = vector.load %arg19[%swap3A_57, %swap3A_58] : memref<64x128xf32, #tpu.memory_space<vmem>>, vector<64x128xf32>
      tpu.vector_store %arg19[%swap3A_57, %swap3A_58], %broadcast_in_dim3A_56 {strides = array<i32>} : memref<64x128xf32, #tpu.memory_space<vmem>>, vector<64x128xf32>,
      %broadcast_in_dim3A_60 = arith.constant 0.000000e+00 : f32
      %broadcast_in_dim3A_61 = vector.broadcast %broadcast_in_dim3A_60 : f32 to vector<64x1xf32>
      %swap3A_62 = arith.constant 0 : index
      %swap3A_63 = arith.constant 0 : index
      %swap3A_64 = vector.load %arg20[%swap3A_62, %swap3A_63] : memref<64x1xf32, #tpu.memory_space<vmem>>, vector<64x1xf32>
      tpu.vector_store %arg20[%swap3A_62, %swap3A_63], %broadcast_in_dim3A_61 {strides = array<i32>} : memref<64x1xf32, #tpu.memory_space<vmem>>, vector<64x1xf32>,
    } else {
    }
    %get3A = arith.constant 0 : index
    %get3A_2 = arith.constant 0 : index
    %get3A_3 = arith.constant 0 : index
    %get3A_4 = vector.load %arg1[%get3A, %get3A_2, %get3A_3] : memref<2x5000x128xf32, #tpu.memory_space<vmem>>, vector<1x5000x128xf32>
    %get3A_5 = vector.shape_cast %get3A_4 : vector<1x5000x128xf32> to vector<5000x128xf32>
    %get3A_6 = arith.constant 1 : index
    %get3A_7 = arith.constant 0 : index
    %get3A_8 = arith.constant 0 : index
    %get3A_9 = vector.load %arg1[%get3A_6, %get3A_7, %get3A_8] : memref<2x5000x128xf32, #tpu.memory_space<vmem>>, vector<1x5000x128xf32>
    %get3A_10 = vector.shape_cast %get3A_9 : vector<1x5000x128xf32> to vector<5000x128xf32>
    %add3A = arith.addf %get3A_5, %get3A_10 : vector<5000x128xf32>
    %get3A_11 = arith.constant 0 : index
    %get3A_12 = arith.constant 0 : index
    %get3A_13 = vector.load %arg2[%get3A_11, %get3A_12] : memref<5000x128xf32, #tpu.memory_space<vmem>>, vector<5000x128xf32>
    %add3A_14 = arith.addf %add3A, %get3A_13 : vector<5000x128xf32>
    %get3A_15 = arith.constant 0 : index
    %get3A_16 = arith.constant 0 : index
    %get3A_17 = vector.load %arg3[%get3A_15, %get3A_16] : memref<5000x1xf32, #tpu.memory_space<vmem>>, vector<5000x1xf32>
    %mul3A = vector.broadcast %get3A_17 : vector<5000x1xf32> to vector<5000x128xf32>
    %mul3A_18 = arith.mulf %mul3A, %add3A_14 : vector<5000x128xf32>
    %get3A_19 = arith.constant 0 : index
    %get3A_20 = arith.constant 0 : index
    %get3A_21 = vector.load %arg5[%get3A_19, %get3A_20] : memref<1x128xf32, #tpu.memory_space<vmem>>, vector<1x128xf32>
    %add3A_22 = vector.broadcast %get3A_21 : vector<1x128xf32> to vector<5000x128xf32>
    %add3A_23 = arith.addf %mul3A_18, %add3A_22 : vector<5000x128xf32>
    %max3A = arith.constant 0.000000e+00 : f32
    %max3A_24 = vector.broadcast %max3A : f32 to vector<5000x128xf32>
    %max3A_25 = arith.maximumf %add3A_23, %max3A_24 : vector<5000x128xf32>
    %iota3A = tpu.iota {dimensions = array<i32: 1>} : vector<5000x64xi32>
    %get3A_26 = arith.constant 0 : index
    %get3A_27 = arith.constant 0 : index
    %get3A_28 = vector.load %arg4[%get3A_26, %get3A_27] : memref<5000x1xi32, #tpu.memory_space<vmem>>, vector<5000x1xi32>
    %eq3A_29 = vector.broadcast %get3A_28 : vector<5000x1xi32> to vector<5000x64xi32>
    %eq3A_30 = arith.cmpi eq, %eq3A_29, %iota3A : vector<5000x64xi32>
    %convert_element_type3A_31 = arith.extui %eq3A_30 : vector<5000x64xi1> to vector<5000x64xi32>
    %convert_element_type3A_32 = arith.sitofp %convert_element_type3A_31 : vector<5000x64xi32> to vector<5000x64xf32>
    %get3A_33 = arith.constant 0 : index
    %get3A_34 = arith.constant 0 : index
    %get3A_35 = vector.load %arg19[%get3A_33, %get3A_34] : memref<64x128xf32, #tpu.memory_space<vmem>>, vector<64x128xf32>
    %dot_general3A = arith.constant dense<0.000000e+00> : vector<64x128xf32>
    %dot_general3A_36 = tpu.matmul %convert_element_type3A_32, %max3A_25, %dot_general3A {dimension_numbers = #tpu.dot_dimension_numbers<[0], [0], [1], [1], [0, 1, 1, 1], [], []>, transpose_lhs_hint = false} : vector<5000x64xf32>, vector<5000x128xf32>, vector<64x128xf32> -> vector<64x128xf32>
    %add3A_37 = arith.addf %get3A_35, %dot_general3A_36 : vector<64x128xf32>
    %swap3A = arith.constant 0 : index
    %swap3A_38 = arith.constant 0 : index
    %swap3A_39 = vector.load %arg19[%swap3A, %swap3A_38] : memref<64x128xf32, #tpu.memory_space<vmem>>, vector<64x128xf32>
    tpu.vector_store %arg19[%swap3A, %swap3A_38], %add3A_37 {strides = array<i32>} : memref<64x128xf32, #tpu.memory_space<vmem>>, vector<64x128xf32>,
    %get3A_40 = arith.constant 0 : index
    %get3A_41 = arith.constant 0 : index
    %get3A_42 = vector.load %arg20[%get3A_40, %get3A_41] : memref<64x1xf32, #tpu.memory_space<vmem>>, vector<64x1xf32>
    %broadcast_in_dim3A = arith.constant 1.000000e+00 : f32
    %broadcast_in_dim3A_43 = vector.broadcast %broadcast_in_dim3A : f32 to vector<5000x1xf32>
    %dot_general3A_44 = arith.constant dense<0.000000e+00> : vector<64x1xf32>
    %dot_general3A_45 = tpu.matmul %convert_element_type3A_32, %broadcast_in_dim3A_43, %dot_general3A_44 {dimension_numbers = #tpu.dot_dimension_numbers<[0], [0], [1], [1], [0, 1, 1, 1], [], []>, transpose_lhs_hint = false} : vector<5000x64xf32>, vector<5000x1xf32>, vector<64x1xf32> -> vector<64x1xf32>
    %add3A_46 = arith.addf %get3A_42, %dot_general3A_45 : vector<64x1xf32>
    %swap3A_47 = arith.constant 0 : index
    %swap3A_48 = arith.constant 0 : index
    %swap3A_49 = vector.load %arg20[%swap3A_47, %swap3A_48] : memref<64x1xf32, #tpu.memory_space<vmem>>, vector<64x1xf32>
    tpu.vector_store %arg20[%swap3A_47, %swap3A_48], %add3A_46 {strides = array<i32>} : memref<64x1xf32, #tpu.memory_space<vmem>>, vector<64x1xf32>,
    %eq3A_50 = arith.constant 1 : i32
    %eq3A_51 = arith.cmpi eq, %arg0, %eq3A_50 : i32
    %convert_element_type3A_52 = arith.extui %eq3A_51 : i1 to i32
    %cond3A_53 = arith.constant 0 : i32
    %cond3A_54 = arith.cmpi ne, %convert_element_type3A_52, %cond3A_53 : i32
    scf.if %cond3A_54 {
      %get3A_55 = arith.constant 0 : index
      %get3A_56 = arith.constant 0 : index
      %get3A_57 = vector.load %arg19[%get3A_55, %get3A_56] : memref<64x128xf32, #tpu.memory_space<vmem>>, vector<64x128xf32>
      %get3A_58 = arith.constant 0 : index
      %get3A_59 = arith.constant 0 : index
      %get3A_60 = vector.load %arg20[%get3A_58, %get3A_59] : memref<64x1xf32, #tpu.memory_space<vmem>>, vector<64x1xf32>
      %max3A_61 = arith.constant 1.000000e+00 : f32
      %max3A_62 = vector.broadcast %max3A_61 : f32 to vector<64x1xf32>
      %max3A_63 = arith.maximumf %get3A_60, %max3A_62 : vector<64x1xf32>
      %div3A = vector.broadcast %max3A_63 : vector<64x1xf32> to vector<64x128xf32>
      %div3A_64 = arith.divf %get3A_57, %div3A : vector<64x128xf32>
      %get3A_65 = arith.constant 0 : index
      %get3A_66 = arith.constant 0 : index
      %get3A_67 = vector.load %arg6[%get3A_65, %get3A_66] : memref<64x128xf32, #tpu.memory_space<vmem>>, vector<64x128xf32>
      %get3A_68 = arith.constant 0 : index
      %get3A_69 = arith.constant 0 : index
      %get3A_70 = vector.load %arg7[%get3A_68, %get3A_69] : memref<128x128xf32, #tpu.memory_space<vmem>>, vector<128x128xf32>
      %dot_general3A_71 = arith.constant dense<0.000000e+00> : vector<64x128xf32>
      %dot_general3A_72 = tpu.matmul %get3A_67, %get3A_70, %dot_general3A_71 {dimension_numbers = #tpu.dot_dimension_numbers<[1], [0], [0], [1], [0, 0, 1, 1], [], []>, transpose_lhs_hint = false} : vector<64x128xf32>, vector<128x128xf32>, vector<64x128xf32> -> vector<64x128xf32>
      %get3A_73 = arith.constant 0 : index
      %get3A_74 = arith.constant 0 : index
      %get3A_75 = vector.load %arg8[%get3A_73, %get3A_74] : memref<1x128xf32, #tpu.memory_space<vmem>>, vector<1x128xf32>
      %add3A_76 = vector.broadcast %get3A_75 : vector<1x128xf32> to vector<64x128xf32>
      %add3A_77 = arith.addf %dot_general3A_72, %add3A_76 : vector<64x128xf32>
      %max3A_78 = arith.constant 0.000000e+00 : f32
      %max3A_79 = vector.broadcast %max3A_78 : f32 to vector<64x128xf32>
      %max3A_80 = arith.maximumf %add3A_77, %max3A_79 : vector<64x128xf32>
      %concatenate3A = tpu.concatenate %div3A_64, %max3A_80 in 1 : vector<64x128xf32>, vector<64x128xf32> -> vector<64x256xf32>
      %reduce_sum3A = arith.constant dense<0.000000e+00> : vector<64xf32>
      %reduce_sum3A_81 = vector.multi_reduction <add>, %concatenate3A, %reduce_sum3A [1] : vector<64x256xf32> to vector<64xf32>
      %broadcast_in_dim3A_82 = vector.shape_cast %reduce_sum3A_81 : vector<64xf32> to vector<64x1xf32>
      %div3A_83 = arith.constant 2.560000e+02 : f32
      %div3A_84 = vector.broadcast %div3A_83 : f32 to vector<64x1xf32>
      %div3A_85 = arith.divf %broadcast_in_dim3A_82, %div3A_84 : vector<64x1xf32>
      %sub3A = vector.broadcast %div3A_85 : vector<64x1xf32> to vector<64x256xf32>
      %sub3A_86 = arith.subf %concatenate3A, %sub3A : vector<64x256xf32>
      %integer_pow3A = arith.mulf %sub3A_86, %sub3A_86 : vector<64x256xf32>
      %reduce_sum3A_87 = arith.constant dense<0.000000e+00> : vector<64xf32>
      %reduce_sum3A_88 = vector.multi_reduction <add>, %integer_pow3A, %reduce_sum3A_87 [1] : vector<64x256xf32> to vector<64xf32>
      %broadcast_in_dim3A_89 = vector.shape_cast %reduce_sum3A_88 : vector<64xf32> to vector<64x1xf32>
      %div3A_90 = arith.constant 2.560000e+02 : f32
      %div3A_91 = vector.broadcast %div3A_90 : f32 to vector<64x1xf32>
      %div3A_92 = arith.divf %broadcast_in_dim3A_89, %div3A_91 : vector<64x1xf32>
      %sub3A_93 = vector.broadcast %div3A_85 : vector<64x1xf32> to vector<64x256xf32>
      %sub3A_94 = arith.subf %concatenate3A, %sub3A_93 : vector<64x256xf32>
      %add3A_95 = arith.constant 9.99999974E-6 : f32
      %add3A_96 = vector.broadcast %add3A_95 : f32 to vector<64x1xf32>
      %add3A_97 = arith.addf %div3A_92, %add3A_96 : vector<64x1xf32>
      %rsqrt3A = math.rsqrt %add3A_97 : vector<64x1xf32>
      %mul3A_98 = vector.broadcast %rsqrt3A : vector<64x1xf32> to vector<64x256xf32>
      %mul3A_99 = arith.mulf %sub3A_94, %mul3A_98 : vector<64x256xf32>
      %get3A_100 = arith.constant 0 : index
      %get3A_101 = arith.constant 0 : index
      %get3A_102 = vector.load %arg9[%get3A_100, %get3A_101] : memref<1x256xf32, #tpu.memory_space<vmem>>, vector<1x256xf32>
      %mul3A_103 = vector.broadcast %get3A_102 : vector<1x256xf32> to vector<64x256xf32>
      %mul3A_104 = arith.mulf %mul3A_99, %mul3A_103 : vector<64x256xf32>
      %get3A_105 = arith.constant 0 : index
      %get3A_106 = arith.constant 0 : index
      %get3A_107 = vector.load %arg10[%get3A_105, %get3A_106] : memref<1x256xf32, #tpu.memory_space<vmem>>, vector<1x256xf32>
      %add3A_108 = vector.broadcast %get3A_107 : vector<1x256xf32> to vector<64x256xf32>
      %add3A_109 = arith.addf %mul3A_104, %add3A_108 : vector<64x256xf32>
      %get3A_110 = arith.constant 0 : index
      %get3A_111 = arith.constant 0 : index
      %get3A_112 = vector.load %arg11[%get3A_110, %get3A_111] : memref<256x128xf32, #tpu.memory_space<vmem>>, vector<256x128xf32>
      %dot_general3A_113 = arith.constant dense<0.000000e+00> : vector<64x128xf32>
      %dot_general3A_114 = tpu.matmul %add3A_109, %get3A_112, %dot_general3A_113 {dimension_numbers = #tpu.dot_dimension_numbers<[1], [0], [0], [1], [0, 0, 1, 1], [], []>, transpose_lhs_hint = false} : vector<64x256xf32>, vector<256x128xf32>, vector<64x128xf32> -> vector<64x128xf32>
      %get3A_115 = arith.constant 0 : index
      %get3A_116 = arith.constant 0 : index
      %get3A_117 = vector.load %arg12[%get3A_115, %get3A_116] : memref<1x128xf32, #tpu.memory_space<vmem>>, vector<1x128xf32>
      %add3A_118 = vector.broadcast %get3A_117 : vector<1x128xf32> to vector<64x128xf32>
      %add3A_119 = arith.addf %dot_general3A_114, %add3A_118 : vector<64x128xf32>
      %max3A_120 = arith.constant 0.000000e+00 : f32
      %max3A_121 = vector.broadcast %max3A_120 : f32 to vector<64x128xf32>
      %max3A_122 = arith.maximumf %add3A_119, %max3A_121 : vector<64x128xf32>
      %get3A_123 = arith.constant 0 : index
      %get3A_124 = arith.constant 0 : index
      %get3A_125 = vector.load %arg13[%get3A_123, %get3A_124] : memref<128x16xf32, #tpu.memory_space<vmem>>, vector<128x16xf32>
      %dot_general3A_126 = arith.constant dense<0.000000e+00> : vector<64x16xf32>
      %dot_general3A_127 = tpu.matmul %max3A_122, %get3A_125, %dot_general3A_126 {dimension_numbers = #tpu.dot_dimension_numbers<[1], [0], [0], [1], [0, 0, 1, 1], [], []>, transpose_lhs_hint = false} : vector<64x128xf32>, vector<128x16xf32>, vector<64x16xf32> -> vector<64x16xf32>
      %get3A_128 = arith.constant 0 : index
      %get3A_129 = arith.constant 0 : index
      %get3A_130 = vector.load %arg14[%get3A_128, %get3A_129] : memref<1x16xf32, #tpu.memory_space<vmem>>, vector<1x16xf32>
      %add3A_131 = vector.broadcast %get3A_130 : vector<1x16xf32> to vector<64x16xf32>
      %add3A_132 = arith.addf %dot_general3A_127, %add3A_131 : vector<64x16xf32>
      %swap3A_133 = arith.constant 0 : index
      %swap3A_134 = arith.constant 0 : index
      %swap3A_135 = vector.load %arg17[%swap3A_133, %swap3A_134] : memref<64x16xf32, #tpu.memory_space<vmem>>, vector<64x16xf32>
      tpu.vector_store %arg17[%swap3A_133, %swap3A_134], %add3A_132 {strides = array<i32>} : memref<64x16xf32, #tpu.memory_space<vmem>>, vector<64x16xf32>,
      %get3A_136 = arith.constant 0 : index
      %get3A_137 = arith.constant 0 : index
      %get3A_138 = vector.load %arg15[%get3A_136, %get3A_137] : memref<128x1xf32, #tpu.memory_space<vmem>>, vector<128x1xf32>
      %dot_general3A_139 = arith.constant dense<0.000000e+00> : vector<64x1xf32>
      %dot_general3A_140 = tpu.matmul %max3A_122, %get3A_138, %dot_general3A_139 {dimension_numbers = #tpu.dot_dimension_numbers<[1], [0], [0], [1], [0, 0, 1, 1], [], []>, transpose_lhs_hint = false} : vector<64x128xf32>, vector<128x1xf32>, vector<64x1xf32> -> vector<64x1xf32>
      %get3A_141 = arith.constant 0 : index
      %get3A_142 = arith.constant 0 : index
      %get3A_143 = vector.load %arg16[%get3A_141, %get3A_142] : memref<1x1xf32, #tpu.memory_space<vmem>>, vector<1x1xf32>
      %add3A_144 = vector.broadcast %get3A_143 : vector<1x1xf32> to vector<64x1xf32>
      %add3A_145 = arith.addf %dot_general3A_140, %add3A_144 : vector<64x1xf32>
      %swap3A_146 = arith.constant 0 : index
      %swap3A_147 = arith.constant 0 : index
      %swap3A_148 = vector.load %arg18[%swap3A_146, %swap3A_147] : memref<64x1xf32, #tpu.memory_space<vmem>>, vector<64x1xf32>
      tpu.vector_store %arg18[%swap3A_146, %swap3A_147], %add3A_145 {strides = array<i32>} : memref<64x1xf32, #tpu.memory_space<vmem>>, vector<64x1xf32>,
    } else {
    }
    return
  }
  func.func @transform_0(%arg0: i32) -> (i32, i32, i32) {
    %c0_i32 = arith.constant 0 : i32
    %c0_i32_0 = arith.constant 0 : i32
    %c0_i32_1 = arith.constant 0 : i32
    return %c0_i32, %arg0, %c0_i32_0 : i32, i32, i32
  }
  func.func @transform_1(%arg0: i32) -> (i32, i32) {
    %c0_i32 = arith.constant 0 : i32
    %c0_i32_0 = arith.constant 0 : i32
    return %arg0, %c0_i32 : i32, i32
  }
  func.func @transform_2(%arg0: i32) -> (i32, i32) {
    %c0_i32 = arith.constant 0 : i32
    %c0_i32_0 = arith.constant 0 : i32
    return %arg0, %c0_i32 : i32, i32
  }
  func.func @transform_3(%arg0: i32) -> (i32, i32) {
    %c0_i32 = arith.constant 0 : i32
    %c0_i32_0 = arith.constant 0 : i32
    return %arg0, %c0_i32 : i32, i32
  }
  func.func @transform_4(%arg0: i32) -> (i32, i32) {
    %c0_i32 = arith.constant 0 : i32
    %c0_i32_0 = arith.constant 0 : i32
    %c0_i32_1 = arith.constant 0 : i32
    return %c0_i32, %c0_i32_0 : i32, i32
  }
  func.func @transform_5(%arg0: i32) -> (i32, i32) {
    %c0_i32 = arith.constant 0 : i32
    %c0_i32_0 = arith.constant 0 : i32
    %c0_i32_1 = arith.constant 0 : i32
    return %c0_i32, %c0_i32_0 : i32, i32
  }
  func.func @transform_6(%arg0: i32) -> (i32, i32) {
    %c0_i32 = arith.constant 0 : i32
    %c0_i32_0 = arith.constant 0 : i32
    %c0_i32_1 = arith.constant 0 : i32
    return %c0_i32, %c0_i32_0 : i32, i32
  }
  func.func @transform_7(%arg0: i32) -> (i32, i32) {
    %c0_i32 = arith.constant 0 : i32
    %c0_i32_0 = arith.constant 0 : i32
    %c0_i32_1 = arith.constant 0 : i32
    return %c0_i32, %c0_i32_0 : i32, i32
  }
  func.func @transform_8(%arg0: i32) -> (i32, i32) {
    %c0_i32 = arith.constant 0 : i32
    %c0_i32_0 = arith.constant 0 : i32
    %c0_i32_1 = arith.constant 0 : i32
    return %c0_i32, %c0_i32_0 : i32, i32
  }
  func.func @transform_9(%arg0: i32) -> (i32, i32) {
    %c0_i32 = arith.constant 0 : i32
    %c0_i32_0 = arith.constant 0 : i32
    %c0_i32_1 = arith.constant 0 : i32
    return %c0_i32, %c0_i32_0 : i32, i32
  }
  func.func @transform_10(%arg0: i32) -> (i32, i32) {
    %c0_i32 = arith.constant 0 : i32
    %c0_i32_0 = arith.constant 0 : i32
    %c0_i32_1 = arith.constant 0 : i32
    return %c0_i32, %c0_i32_0 : i32, i32
  }
  func.func @transform_11(%arg0: i32) -> (i32, i32) {
    %c0_i32 = arith.constant 0 : i32
    %c0_i32_0 = arith.constant 0 : i32
    %c0_i32_1 = arith.constant 0 : i32
    return %c0_i32, %c0_i32_0 : i32, i32
  }
  func.func @transform_12(%arg0: i32) -> (i32, i32) {
    %c0_i32 = arith.constant 0 : i32
    %c0_i32_0 = arith.constant 0 : i32
    %c0_i32_1 = arith.constant 0 : i32
    return %c0_i32, %c0_i32_0 : i32, i32
  }
  func.func @transform_13(%arg0: i32) -> (i32, i32) {
    %c0_i32 = arith.constant 0 : i32
    %c0_i32_0 = arith.constant 0 : i32
    %c0_i32_1 = arith.constant 0 : i32
    return %c0_i32, %c0_i32_0 : i32, i32
  }
  func.func @transform_14(%arg0: i32) -> (i32, i32) {
    %c0_i32 = arith.constant 0 : i32
    %c0_i32_0 = arith.constant 0 : i32
    %c0_i32_1 = arith.constant 0 : i32
    return %c0_i32, %c0_i32_0 : i32, i32
  }
  func.func @transform_15(%arg0: i32) -> (i32, i32) {
    %c0_i32 = arith.constant 0 : i32
    %c0_i32_0 = arith.constant 0 : i32
    %c0_i32_1 = arith.constant 0 : i32
    return %c0_i32, %c0_i32_0 : i32, i32
  }
  func.func @transform_16(%arg0: i32) -> (i32, i32) {
    %c0_i32 = arith.constant 0 : i32
    %c0_i32_0 = arith.constant 0 : i32
    %c0_i32_1 = arith.constant 0 : i32
    return %c0_i32, %c0_i32_0 : i32, i32
  }
  func.func @transform_17(%arg0: i32) -> (i32, i32) {
    %c0_i32 = arith.constant 0 : i32
    %c0_i32_0 = arith.constant 0 : i32
    %c0_i32_1 = arith.constant 0 : i32
    return %c0_i32, %c0_i32_0 : i32, i32
  }
}

</mosaic_0001>

<sc_bundles>
// kernel: kernel.6.cloned.1.call-start
scs
__scs_entry_jumppad:
0x0: {  	(pc) =	sbr.rel $0x88, $3  }
0x1: {  	(tag) =	ssettag $0x0;
	lr =	simm.s32 $0x1  }
0x2: {  	[smem:$0x3F91] =	sst lr;
	_ =	strace $0xD0000000  }
0x3: {  	_ = 	snop  }
0x4: {  	_ = 	snop  }
0x5: {  	_ = 	snop  }
0x6: {  	_ = 	snop  }
0x7: {  	_ = 	snop  }
__scs_overlays_trampoline_lowered:
0x8: {  	[smem:$0x3FA0] =	sst s0  }
0x9: {  	[smem:$0x3FA1] =	sst s1  }
0xa: {  	[smem:$0x3FA2] =	sst s2  }
0xb: {  	[smem:$0x3FA3] =	sst s3  }
0xc: {  	[smem:$0x3FA4] =	sst s4  }
0xd: {  	[smem:$0x3FA5] =	sst s5  }
0xe: {  	[smem:$0x3FA6] =	sst s6  }
0xf: {  	[smem:$0x3FA7] =	sst s7  }
0x10: {  	[smem:$0x3FA8] =	sst s8  }
0x11: {  	[smem:$0x3FA9] =	sst s9;
	s0 =	simm.s32 @!p0 $0x0  }
0x12: {  	s1 =	sld [smem:$0x3F8F];
	s0 =	simm.s32 @p0 $0x1  }
0x13: {  	[smem:$0x3FAA] =	sst s0;
	s0 =	simm.s32 @!p1 $0x0  }
0x14: {  	s2 =	sld [smem:$0x3F8E];
	s0 =	simm.s32 @p1 $0x1  }
0x15: {  	[smem:$0x3FAB] =	sst s0;
	s0 =	simm.s32 @!p2 $0x0  }
0x16: {  	s3 =	sld [smem:$0x3FDB];
	s0 =	simm.s32 @p2 $0x1  }
0x17: {  	s4 =	simm.s32 $0x1BF5;
	[smem:$0x3FAD] =	sst s0  }
0x18: {  	s0 =	sld [smem:$0x3F90];
	_ =	swait.ge [sflag:s4], $0x0  }
0x19: {  	s7 =	sld [smem:$0x3F91]  }
0x1a: {  	s8 =	sadd.s32 $0xFFFFE003, lr  }
0x1b: {  	s9 =	sadd.s32 $0xFFFFFEF7, lr;
	s5 =	simm.s32 $0xFFFFFFFF;
	p2 =	slt.u32 s8, $0xFFFFF086  }
0x1c: {  	p1 =	slt.u32 s9, $0xF7A;
	s5 =	simm.s32 @!p2 $0x0  }
0x1d: {  	s5 =	simm.s32 @p1 $0x1;
	p0 =	seq.s32 s7, s2  }
0x1e: {  	s7 =	smul.u32 @!p0 $0xF7A, s2;
	p2 =	seq.s32 @!p0 s5, $0x0  }
0x1f: {  	s9 =	smul.u32 $0xF7A, s1;
	s8 =	simm.s32 @!p0 $0x1BF5;
	p2 =	por !p2, p0  }
0x20: {  	[sflag:s8] =	ssyncset.s32 @!p0 $0xFFFFF086;
	s6 =	sadd.s32 @!p0 s3, s7;
	s7 =	simm.s32 @!p0 $0x108  }
0x21: {  	s3 =	sadd.s32 s3, s9;
	s6 =	sadd.s32 @!p0 $0x88, s6;
	s7 =	simm.s32 @p2 $0x1082  }
0x22: {  	[simem:s7], [sflag:s8] =	dma.local @!p0 [hbm:s6], $0xF7A  }
0x23: {  	s9 =	sor.u32 $0xD0000000, s2;
	s6 =	simm.s32 $0x108;
	_ =	swait.ge @!p0 [sflag:s8], $0x0  }
0x24: {  	s3 =	sadd.s32 $0x88, s3;
	s6 =	simm.s32 @!p1 $0x1082;
	[sflag:s4] =	ssyncset.s32 $0xFFFFF086  }
0x25: {  	[simem:s6], [sflag:s4] =	dma.local [hbm:s3], $0xF7A  }
0x26: {  	[smem:$0x3F91] =	sst s1;
	(tag) =	ssettag s2;
	_ =	strace s9  }
0x27: {  	s1 =	sld [smem:$0x3FA1]  }
0x28: {  	s2 =	sld [smem:$0x3FA2]  }
0x29: {  	s4 =	sld [smem:$0x3FA4]  }
0x2a: {  	p0 =	seq.s32 s5, $0x0;
	s5 =	sld [smem:$0x3FA5]  }
0x2b: {  	s6 =	sld [smem:$0x3FA6]  }
0x2c: {  	s7 =	sld [smem:$0x3FA7]  }
0x2d: {  	s3 =	simm.s32 $0x108;
	s8 =	sld [smem:$0x3FA8]  }
0x2e: {  	s3 =	simm.s32 @!p0 $0x1082;
	s9 =	sld [smem:$0x3FA9]  }
0x2f: {  	lr =	sadd.s32 s0, s3;
	s0 =	sld [smem:$0x3FA0]  }
0x30: {  	s3 =	sld [smem:$0x3FA3]  }
0x31: {  	[smem:$0x3FAC] =	sst s10  }
0x32: {  	s10 =	sld [smem:$0x3FAA];
	_ =	sdelay $0x3  }
0x33: {  	p0 =	seq.s32 s10, $0x1;
	s10 =	sld [smem:$0x3FAC];
	_ =	sdelay $0x3  }
0x34: {  	[smem:$0x3FAC] =	sst s10  }
0x35: {  	s10 =	sld [smem:$0x3FAB];
	_ =	sdelay $0x3  }
0x36: {  	p1 =	seq.s32 s10, $0x1;
	s10 =	sld [smem:$0x3FAC];
	_ =	sdelay $0x3  }
0x37: {  	[smem:$0x3FAC] =	sst s10  }
0x38: {  	s10 =	sld [smem:$0x3FAD]  }
0x39: {  	_ = 	snop;
	(pc) =	sbr.ind lr, $3  }
0x3a: {  	_ = 	snop  }
0x3b: {  	_ = 	snop  }
0x3c: {  	p2 =	seq.s32 s10, $0x1;
	s10 =	sld [smem:$0x3FAC]  }
0x3d: {  	_ =	shalt  }
0x3e: {  	_ =	shalt  }
0x3f: {  	_ =	shalt  }
0x40: {  	_ =	shalt  }
0x41: {  	_ =	shalt  }
0x42: {  	_ =	shalt  }
0x43: {  	_ =	shalt  }
0x44: {  	_ =	shalt  }
0x45: {  	_ =	shalt  }
0x46: {  	_ =	shalt  }
0x47: {  	_ =	shalt  }
0x48: {  	_ =	shalt  }
0x49: {  	_ =	shalt  }
0x4a: {  	_ =	shalt  }
0x4b: {  	_ =	shalt  }
0x4c: {  	_ =	shalt  }
0x4d: {  	_ =	shalt  }
0x4e: {  	_ =	shalt  }
0x4f: {  	_ =	shalt  }
0x50: {  	_ =	shalt  }
0x51: {  	_ =	shalt  }
0x52: {  	_ =	shalt  }
0x53: {  	_ =	shalt  }
0x54: {  	_ =	shalt  }
0x55: {  	_ =	shalt  }
0x56: {  	_ =	shalt  }
0x57: {  	_ =	shalt  }
0x58: {  	_ =	shalt  }
0x59: {  	_ =	shalt  }
0x5a: {  	_ =	shalt  }
0x5b: {  	_ =	shalt  }
0x5c: {  	_ =	shalt  }
0x5d: {  	_ =	shalt  }
0x5e: {  	_ =	shalt  }
0x5f: {  	_ =	shalt  }
0x60: {  	_ =	shalt  }
0x61: {  	_ =	shalt  }
0x62: {  	_ =	shalt  }
0x63: {  	_ =	shalt  }
0x64: {  	_ =	shalt  }
0x65: {  	_ =	shalt  }
0x66: {  	_ =	shalt  }
0x67: {  	_ =	shalt  }
0x68: {  	_ =	shalt  }
0x69: {  	_ =	shalt  }
0x6a: {  	_ =	shalt  }
0x6b: {  	_ =	shalt  }
0x6c: {  	_ =	shalt  }
0x6d: {  	_ =	shalt  }
0x6e: {  	_ =	shalt  }
0x6f: {  	_ =	shalt  }
0x70: {  	_ =	shalt  }
0x71: {  	_ =	shalt  }
0x72: {  	_ =	shalt  }
0x73: {  	_ =	shalt  }
0x74: {  	_ =	shalt  }
0x75: {  	_ =	shalt  }
0x76: {  	_ =	shalt  }
0x77: {  	_ =	shalt  }
0x78: {  	_ =	shalt  }
0x79: {  	_ =	shalt  }
0x7a: {  	_ =	shalt  }
0x7b: {  	_ =	shalt  }
0x7c: {  	_ =	shalt  }
0x7d: {  	_ =	shalt  }
0x7e: {  	_ =	shalt  }
0x7f: {  	_ =	shalt  }
0x80: {  	_ =	shalt  }
0x81: {  	_ =	shalt  }
0x82: {  	_ =	shalt  }
0x83: {  	_ =	shalt  }
0x84: {  	_ =	shalt  }
0x85: {  	_ =	shalt  }
0x86: {  	_ =	shalt  }
0x87: {  	_ =	shalt  }
.Lfunc_end0:
.L_simem_size_0:
called_computation_lowered:
.L_overlay_start_0:
0x88: {  	s2 =	sld [smem:$0x3FD9]  }
0x89: {  	s3 =	sld [smem:$0x3FFE];
	_ =	sdelay $0x1  }
0x8a: {  	s1 =	srdreg.scid  }
0x8b: {  	s0 =	sand.u32 $0x1, s1  }
0x8c: {  	s16 =	sshll.u32 s0, $0xA;
	s2 =	sadd.s32 s3, s2  }
0x8d: {  	s2 =	sadd.s32 s2, s16  }
0x8e: {  	[smem:$0x3FB8] =	sst s2  }
0x8f: {  	_ = 	snop  }
0x90: {  	(tm) =	ssettm $0x1  }
0x91: {  	s17 =	sld [smem:$0x3FFB];
	_ =	sdelay $0x3  }
0x92: {  	_ =	strace s17  }
0x93: {  	s2 =	sld [smem:$0x3FFC];
	_ =	sdelay $0x3  }
0x94: {  	_ =	strace s2  }
0x95: {  	s2 =	sld [smem:$0x3FFD];
	_ =	sdelay $0x3  }
0x96: {  	_ =	strace s2  }
0x97: {  	_ =	strace $0x8FFFFFFF  }
0x98: {  	s18 =	sld [smem:$0x3FDB];
	_ =	sdelay $0x1  }
0x99: {  	s19 =	simm.s32 $_scs_section_size  }
0x9a: {  	s4 =	simm.s32 $_size__tile_overlayer_lowered;
	s5 =	simm.s32 $_tile_overlayer_lowered  }
0x9b: {  	s22 =	simm.s32 $0x1BFF;
	s21 =	sshll.u32 s5, $0x1;
	s2 =	sadd.s32 s19, s18  }
0x9c: {  	s6 =	simm.s32 $0x0;
	s20 =	sshll.u32 s4, $0x1;
	s4 =	sadd.s32 s21, s2  }
0x9d: {  	[timem:s6], [sflag:s22] =	dma.local [hbm:s4], s20  }
0x9e: {  	_ =	swait.ge [sflag:s22], s20  }
0x9f: {  	s3 =	ssub.s32 $0x0, s20;
	[sflag:s22] =	ssyncset.done $0x0  }
0xa0: {  	[sflag:s22] =	ssyncadd.s32 s3;
	_ =	sdelay $0x1  }
0xa1: {  	s23 =	simm.s32 $0x1B8B  }
0xa2: {  	_ =	swait.ge [sflag:s23], $0x1  }
0xa3: {  	[sflag:s23] =	ssyncset.done $0x0  }
0xa4: {  	s25 =	simm.s32 $0x1B8E;
	s24 =	sld [smem:$0x3FFE];
	[sflag:s23] =	ssyncadd.s32 $0xFFFFFFFF  }
0xa5: {  	s26 =	simm.s32 $execute0_lowered;
	[smem:$0x3FD2] =	sst s25  }
0xa6: {  	s4 =	sshll.u32 s26, $0x1;
	_ =	strace $0x80000046;
	[dreg:$0x1] =	wrdreg $0xFFFFFFFF  }
0xa7: {  	s28 =	simm.s32 $_size_execute0_lowered;
	s2 =	sadd.s32 s2, s4;
	[dreg:$0x0] =	wrdreg $0x0  }
0xa8: {  	s4 =	sshll.u32 s28, $0x1;
	[dreg:$0x2] =	wrdreg s2  }
0xa9: {  	[dreg:$0x3] =	wrdreg s4  }
0xaa: {  	[dreg:$0x4] =	wrdreg $0xC0  }
0xab: {  	_ =	task [dreg:s6], $0x5FFFF  }
0xac: {  	[dreg:$0x1] =	wrdreg $0xFFFFFFFF  }
0xad: {  	[dreg:$0x0] =	wrdreg $0x60  }
0xae: {  	[dreg:$0x2] =	wrdreg s24  }
0xaf: {  	[dreg:$0x3] =	wrdreg $0x9  }
0xb0: {  	_ =	task.clear_ibuf [dreg:s6], $0x4FFFF;
	_ =	strace $0x90000046  }
0xb1: {  	s29 =	simm.s32 $0x9;
	_ =	strace $0x80000048  }
0xb2: {  	_ =	swait.ge [sflag:s29], $0x1  }
0xb3: {  	[sflag:s29] =	ssyncadd.s32 $0xFFFFFFFF  }
0xb4: {  	_ =	strace $0x90000048  }
0xb5: {  	_ =	sfence  }
0xb6: {  	s30 =	sld [smem:$0x0];
	_ =	sdelay $0x2  }
0xb7: {  	s31 =	sshll.u32 s1, $0xD;
	s1 =	sshrl.u32 s1, $0x2  }
0xb8: {  	s3 =	sand.u32 $0x4000, s31;
	s1 =	sadd.s32 s1, s30  }
0xb9: {  	s0 =	sor.u32 s3, s0;
	s1 =	sshll.u32 s1, $0x11  }
0xba: {  	s0 =	sor.u32 s1, s0  }
0xbb: {  	s0 =	sadd.s32 $0x8F2B, s0  }
0xbc: {  	[sflag:s0] =	ssyncadd.remote.s32 $0x1  }
0xbd: {  	_ =	sfence.sel $0xFFFF  }
0xbe: {  	[dreg:$0x0] =	wrdreg $0xFFFFFFFF;
	(pc) =	sbr.abs _section_cstart, $3  }
0xbf: {  	[dreg:$0x1] =	wrdreg $0xFFFFFFFF  }
0xc0: {  	_ =	task.clear_ibuf [dreg:s6], $0x2FFFF;
	_ =	strace $0x9FFFFFFF  }
0xc1: {  	(tm) =	ssettm $0x7FFFFFFF  }
tec
execute0_lowered:
.L_overlay_start_1:
0x0: {  	(tag) =	ssettag $0x1  }
0x1: {  	s0 =	srdreg.scid  }
0x2: {  	s4 =	rddreg [dreg:$0x0];
	s3 =	sand.u32 $0x1, s0  }
0x3: {  	s2 =	simm.s32 $0x0;
	s0 =	stileid.u32;
	s1 =	sshll.u32 s3, $0x4  }
0x4: {  	s8 =	simm.s32 $0x1;
	s9 =	simm.s32 $0x80;
	s1 =	sor.u32 s0, s1  }
0x5: {  	s10 =	simm.s32 $0x400;
	s11 =	simm.s32 $0x0;
	s5 =	sshrl.u32 s1, $0x3  }
0x6: {  	[smem:$0x7FF] =	sst s2;
	s6 =	sshll.u32 s0, $0x7;
	s7 =	smul.u32 $0x13C00, s5  }
0x7: {  	s30 =	ssub.s32 $0x2, s3;
	s6 =	sand.u32 $0x380, s6;
	s5 =	smul.u32 $0x14000, s5  }
0x8: {  	s3 =	sadd.s32 $0xCE00, s4;
	s31 =	sshrl.u32 s30, $0x1;
	s7 =	sor.u32 s6, s7  }
0x9: {  	s1 =	rddreg [dreg:$0x1];
	s5 =	sor.u32 s6, s5;
	s7 =	sshrl.u32 s7, $0x3  }
0xa: {  	_ =	strace $0x80000047;
	s5 =	sshrl.u32 s5, $0x3;
	s29 =	sadd.s32 s7, s4  }
0xb: {  	s5 =	sadd.s32 s5, s4;
	s7 =	ssub.s32 s30, s31;
	s4 =	sadd.s32 $0x3000, s29  }
0xc: {  	v0 =	vimm.f32 $1.000000000e+00;
	s5 =	sadd.s32 $0xD400, s5;
	s6 =	smax.u32 s7, $0x1;
	s7 =	simm.s32 $0x2780  }
.LBB2_1:
0xd: {  	[tilespmem:s7], [sflag:$0x1] =	stream.linear.gather [hbm4b:s3+s2], $0x2800, $0x38;
	[tilespmem:$0x4F80] =	vst v63  }
0xe: {  	_ =	swait.ge [sflag:s8], $0x2800  }
0xf: {  	[sflag:s8] =	ssyncset.done $0x0  }
0x10: {  	[sflag:s8] =	ssyncadd.s32 $0xFFFFD800  }
0x11: {  	[tilespmem:s2], [sflag:$0x1] =	stream.strided.gather [hbm4b:s4+s9], $0x2780, s10, s9, $0x38;
	[tilespmem:$0x4F80] =	vst v63  }
0x12: {  	_ =	swait.ge [sflag:s8], $0x2780  }
0x13: {  	[sflag:s8] =	ssyncset.done $0x0  }
0x14: {  	s12 =	simm.s32 $0x0;
	[sflag:s8] =	ssyncadd.s32 $0xFFFFD880  }
.LBB2_2:
0x15: {  	s13 =	sshra.s32 s12, $0x2  }
0x16: {  	v1 =	vld [tilespmem:s13+$0x0];
	_ =	sdelay $0x7  }
0x17: {  	[tilespmem:v1+s7+$0x0] =	vst.idx.add.f32.msk $0xffff, v0  }
0x18: {  	v1 =	vld [tilespmem:s13+$0x10];
	_ =	sdelay $0x7  }
0x19: {  	[tilespmem:v1+s7+$0x0] =	vst.idx.add.f32.msk $0xffff, v0  }
0x1a: {  	v1 =	vld [tilespmem:s13+$0x20];
	_ =	sdelay $0x7  }
0x1b: {  	[tilespmem:v1+s7+$0x0] =	vst.idx.add.f32.msk $0xffff, v0  }
0x1c: {  	v1 =	vld [tilespmem:s13+$0x30];
	_ =	sdelay $0x7  }
0x1d: {  	[tilespmem:v1+s7+$0x0] =	vst.idx.add.f32.msk $0xffff, v0  }
0x1e: {  	v1 =	vld [tilespmem:s13+$0x40];
	_ =	sdelay $0x2  }
0x1f: {  	p0 =	sne.s32 s12, $0x9B00  }
.Ltmp0:
0x20: {  	_ = 	snop;
	(pc) =	sbr.rel @p0 .LBB2_2-.Ltmp0, $2  }
0x21: {  	_ =	sdelay $0x2  }
0x22: {  	s12 =	sadd.s32 $0x140, s12;
	[tilespmem:v1+s7+$0x0] =	vst.idx.add.f32.msk $0xffff, v0  }
0x23: {  	s11 =	sadd.s32 $0x1, s11  }
0x24: {  	p0 =	sne.s32 s11, s6  }
.Ltmp1:
0x25: {  	_ = 	snop;
	(pc) =	sbr.rel @p0 .LBB2_1-.Ltmp1, $4  }
0x26: {  	[hbm4b:s5+s9] =	stream.strided.scatter [tilespmem:s7], [sflag:$0x1], $0x2800, s10, s9, $0x38;
	[tilespmem:$0x4F80] =	vst v63  }
0x27: {  	_ =	swait.ge [sflag:s8], $0x2800  }
0x28: {  	[sflag:s8] =	ssyncset.done $0x0  }
0x29: {  	[sflag:s8] =	ssyncadd.s32 $0xFFFFD800  }
0x2a: {  	_ =	sfence.sel $0x180000  }
0x2b: {  	[bflag:$0x0] =	sbarrier.arrive $0xFFFF  }
0x2c: {  	p0 =	sne.s32 s0, $0x0;
	_ =	strace $0x90000047  }
0x2d: {  	s0 =	sadd.s32 @!p0 $0x100000, s1;
	[bflag:$0x2] =	sbarrier.arrive $0xFFFF  }
0x2e: {  	[sflag:s0] =	ssyncadd.tile.s32 @!p0 $0x1;
	_ =	shalt  }
.Lfunc_end2:
_tile_overlayer_lowered:
.L_overlay_start_2:
0x2f: {  	(tag) =	ssettag $0x2  }
0x30: {  	s0 =	rddreg [dreg:$0x0];
	s2 =	stileid.u32  }
0x31: {  	s1 =	rddreg [dreg:$0x1];
	p0 =	sne.s32 s2, $0x0  }
0x32: {  	s3 =	rddreg [dreg:$0x2];
	[bflag:$0x3] =	sbarrier.arrive $0xFFFF;
	s2 =	simm.s32 @!p0 $0x1C01  }
0x33: {  	[timem:s3], [sflag:s2] =	dma.local @!p0 [hbm:s0], s1  }
0x34: {  	s0 =	simm.s32 @!p0 $0x1  }
0x35: {  	_ =	swait.ge @!p0 [sflag:s0], s1  }
0x36: {  	s1 =	ssub.s32 @!p0 $0x0, s1;
	[sflag:s0] =	ssyncset.done @!p0 $0x0  }
0x37: {  	[sflag:s0] =	ssyncadd.s32 @!p0 s1  }
0x38: {  	[bflag:$0x3] =	sbarrier.arrive $0xFFFF  }
0x39: {  	_ =	shalt  }

// kernel: kernel.9.cloned.1.call-start
scs
__scs_entry_jumppad:
0x0: {  	(pc) =	sbr.rel $0x88, $3  }
0x1: {  	(tag) =	ssettag $0x0;
	lr =	simm.s32 $0x1  }
0x2: {  	[smem:$0x3F91] =	sst lr;
	_ =	strace $0xD0000000  }
0x3: {  	_ = 	snop  }
0x4: {  	_ = 	snop  }
0x5: {  	_ = 	snop  }
0x6: {  	_ = 	snop  }
0x7: {  	_ = 	snop  }
__scs_overlays_trampoline_lowered:
0x8: {  	[smem:$0x3FA0] =	sst s0  }
0x9: {  	[smem:$0x3FA1] =	sst s1  }
0xa: {  	[smem:$0x3FA2] =	sst s2  }
0xb: {  	[smem:$0x3FA3] =	sst s3  }
0xc: {  	[smem:$0x3FA4] =	sst s4  }
0xd: {  	[smem:$0x3FA5] =	sst s5  }
0xe: {  	[smem:$0x3FA6] =	sst s6  }
0xf: {  	[smem:$0x3FA7] =	sst s7  }
0x10: {  	[smem:$0x3FA8] =	sst s8  }
0x11: {  	[smem:$0x3FA9] =	sst s9;
	s0 =	simm.s32 @!p0 $0x0  }
0x12: {  	s1 =	sld [smem:$0x3F8F];
	s0 =	simm.s32 @p0 $0x1  }
0x13: {  	[smem:$0x3FAA] =	sst s0;
	s0 =	simm.s32 @!p1 $0x0  }
0x14: {  	s2 =	sld [smem:$0x3F8E];
	s0 =	simm.s32 @p1 $0x1  }
0x15: {  	[smem:$0x3FAB] =	sst s0;
	s0 =	simm.s32 @!p2 $0x0  }
0x16: {  	s3 =	sld [smem:$0x3FDB];
	s0 =	simm.s32 @p2 $0x1  }
0x17: {  	s4 =	simm.s32 $0x1BF5;
	[smem:$0x3FAD] =	sst s0  }
0x18: {  	s0 =	sld [smem:$0x3F90];
	_ =	swait.ge [sflag:s4], $0x0  }
0x19: {  	s7 =	sld [smem:$0x3F91]  }
0x1a: {  	s8 =	sadd.s32 $0xFFFFE003, lr  }
0x1b: {  	s9 =	sadd.s32 $0xFFFFFEF7, lr;
	s5 =	simm.s32 $0xFFFFFFFF;
	p2 =	slt.u32 s8, $0xFFFFF086  }
0x1c: {  	p1 =	slt.u32 s9, $0xF7A;
	s5 =	simm.s32 @!p2 $0x0  }
0x1d: {  	s5 =	simm.s32 @p1 $0x1;
	p0 =	seq.s32 s7, s2  }
0x1e: {  	s7 =	smul.u32 @!p0 $0xF7A, s2;
	p2 =	seq.s32 @!p0 s5, $0x0  }
0x1f: {  	s9 =	smul.u32 $0xF7A, s1;
	s8 =	simm.s32 @!p0 $0x1BF5;
	p2 =	por !p2, p0  }
0x20: {  	[sflag:s8] =	ssyncset.s32 @!p0 $0xFFFFF086;
	s6 =	sadd.s32 @!p0 s3, s7;
	s7 =	simm.s32 @!p0 $0x108  }
0x21: {  	s3 =	sadd.s32 s3, s9;
	s6 =	sadd.s32 @!p0 $0x88, s6;
	s7 =	simm.s32 @p2 $0x1082  }
0x22: {  	[simem:s7], [sflag:s8] =	dma.local @!p0 [hbm:s6], $0xF7A  }
0x23: {  	s9 =	sor.u32 $0xD0000000, s2;
	s6 =	simm.s32 $0x108;
	_ =	swait.ge @!p0 [sflag:s8], $0x0  }
0x24: {  	s3 =	sadd.s32 $0x88, s3;
	s6 =	simm.s32 @!p1 $0x1082;
	[sflag:s4] =	ssyncset.s32 $0xFFFFF086  }
0x25: {  	[simem:s6], [sflag:s4] =	dma.local [hbm:s3], $0xF7A  }
0x26: {  	[smem:$0x3F91] =	sst s1;
	(tag) =	ssettag s2;
	_ =	strace s9  }
0x27: {  	s1 =	sld [smem:$0x3FA1]  }
0x28: {  	s2 =	sld [smem:$0x3FA2]  }
0x29: {  	s4 =	sld [smem:$0x3FA4]  }
0x2a: {  	p0 =	seq.s32 s5, $0x0;
	s5 =	sld [smem:$0x3FA5]  }
0x2b: {  	s6 =	sld [smem:$0x3FA6]  }
0x2c: {  	s7 =	sld [smem:$0x3FA7]  }
0x2d: {  	s3 =	simm.s32 $0x108;
	s8 =	sld [smem:$0x3FA8]  }
0x2e: {  	s3 =	simm.s32 @!p0 $0x1082;
	s9 =	sld [smem:$0x3FA9]  }
0x2f: {  	lr =	sadd.s32 s0, s3;
	s0 =	sld [smem:$0x3FA0]  }
0x30: {  	s3 =	sld [smem:$0x3FA3]  }
0x31: {  	[smem:$0x3FAC] =	sst s10  }
0x32: {  	s10 =	sld [smem:$0x3FAA];
	_ =	sdelay $0x3  }
0x33: {  	p0 =	seq.s32 s10, $0x1;
	s10 =	sld [smem:$0x3FAC];
	_ =	sdelay $0x3  }
0x34: {  	[smem:$0x3FAC] =	sst s10  }
0x35: {  	s10 =	sld [smem:$0x3FAB];
	_ =	sdelay $0x3  }
0x36: {  	p1 =	seq.s32 s10, $0x1;
	s10 =	sld [smem:$0x3FAC];
	_ =	sdelay $0x3  }
0x37: {  	[smem:$0x3FAC] =	sst s10  }
0x38: {  	s10 =	sld [smem:$0x3FAD]  }
0x39: {  	_ = 	snop;
	(pc) =	sbr.ind lr, $3  }
0x3a: {  	_ = 	snop  }
0x3b: {  	_ = 	snop  }
0x3c: {  	p2 =	seq.s32 s10, $0x1;
	s10 =	sld [smem:$0x3FAC]  }
0x3d: {  	_ =	shalt  }
0x3e: {  	_ =	shalt  }
0x3f: {  	_ =	shalt  }
0x40: {  	_ =	shalt  }
0x41: {  	_ =	shalt  }
0x42: {  	_ =	shalt  }
0x43: {  	_ =	shalt  }
0x44: {  	_ =	shalt  }
0x45: {  	_ =	shalt  }
0x46: {  	_ =	shalt  }
0x47: {  	_ =	shalt  }
0x48: {  	_ =	shalt  }
0x49: {  	_ =	shalt  }
0x4a: {  	_ =	shalt  }
0x4b: {  	_ =	shalt  }
0x4c: {  	_ =	shalt  }
0x4d: {  	_ =	shalt  }
0x4e: {  	_ =	shalt  }
0x4f: {  	_ =	shalt  }
0x50: {  	_ =	shalt  }
0x51: {  	_ =	shalt  }
0x52: {  	_ =	shalt  }
0x53: {  	_ =	shalt  }
0x54: {  	_ =	shalt  }
0x55: {  	_ =	shalt  }
0x56: {  	_ =	shalt  }
0x57: {  	_ =	shalt  }
0x58: {  	_ =	shalt  }
0x59: {  	_ =	shalt  }
0x5a: {  	_ =	shalt  }
0x5b: {  	_ =	shalt  }
0x5c: {  	_ =	shalt  }
0x5d: {  	_ =	shalt  }
0x5e: {  	_ =	shalt  }
0x5f: {  	_ =	shalt  }
0x60: {  	_ =	shalt  }
0x61: {  	_ =	shalt  }
0x62: {  	_ =	shalt  }
0x63: {  	_ =	shalt  }
0x64: {  	_ =	shalt  }
0x65: {  	_ =	shalt  }
0x66: {  	_ =	shalt  }
0x67: {  	_ =	shalt  }
0x68: {  	_ =	shalt  }
0x69: {  	_ =	shalt  }
0x6a: {  	_ =	shalt  }
0x6b: {  	_ =	shalt  }
0x6c: {  	_ =	shalt  }
0x6d: {  	_ =	shalt  }
0x6e: {  	_ =	shalt  }
0x6f: {  	_ =	shalt  }
0x70: {  	_ =	shalt  }
0x71: {  	_ =	shalt  }
0x72: {  	_ =	shalt  }
0x73: {  	_ =	shalt  }
0x74: {  	_ =	shalt  }
0x75: {  	_ =	shalt  }
0x76: {  	_ =	shalt  }
0x77: {  	_ =	shalt  }
0x78: {  	_ =	shalt  }
0x79: {  	_ =	shalt  }
0x7a: {  	_ =	shalt  }
0x7b: {  	_ =	shalt  }
0x7c: {  	_ =	shalt  }
0x7d: {  	_ =	shalt  }
0x7e: {  	_ =	shalt  }
0x7f: {  	_ =	shalt  }
0x80: {  	_ =	shalt  }
0x81: {  	_ =	shalt  }
0x82: {  	_ =	shalt  }
0x83: {  	_ =	shalt  }
0x84: {  	_ =	shalt  }
0x85: {  	_ =	shalt  }
0x86: {  	_ =	shalt  }
0x87: {  	_ =	shalt  }
.Lfunc_end0:
.L_simem_size_0:
called_computation.1_lowered:
.L_overlay_start_0:
0x88: {  	s2 =	sld [smem:$0x3FD9]  }
0x89: {  	s3 =	sld [smem:$0x3FFE];
	_ =	sdelay $0x1  }
0x8a: {  	s1 =	srdreg.scid  }
0x8b: {  	s0 =	sand.u32 $0x1, s1  }
0x8c: {  	s16 =	sshll.u32 s0, $0xA;
	s2 =	sadd.s32 s3, s2  }
0x8d: {  	s2 =	sadd.s32 s2, s16  }
0x8e: {  	[smem:$0x3FB8] =	sst s2  }
0x8f: {  	_ = 	snop  }
0x90: {  	(tm) =	ssettm $0x1  }
0x91: {  	s17 =	sld [smem:$0x3FFB];
	_ =	sdelay $0x3  }
0x92: {  	_ =	strace s17  }
0x93: {  	s2 =	sld [smem:$0x3FFC];
	_ =	sdelay $0x3  }
0x94: {  	_ =	strace s2  }
0x95: {  	s2 =	sld [smem:$0x3FFD];
	_ =	sdelay $0x3  }
0x96: {  	_ =	strace s2  }
0x97: {  	_ =	strace $0x8FFFFFFF  }
0x98: {  	s18 =	sld [smem:$0x3FDB];
	_ =	sdelay $0x1  }
0x99: {  	s19 =	simm.s32 $_scs_section_size  }
0x9a: {  	s4 =	simm.s32 $_size__tile_overlayer_lowered;
	s5 =	simm.s32 $_tile_overlayer_lowered  }
0x9b: {  	s22 =	simm.s32 $0x1BFF;
	s21 =	sshll.u32 s5, $0x1;
	s2 =	sadd.s32 s19, s18  }
0x9c: {  	s6 =	simm.s32 $0x0;
	s20 =	sshll.u32 s4, $0x1;
	s4 =	sadd.s32 s21, s2  }
0x9d: {  	[timem:s6], [sflag:s22] =	dma.local [hbm:s4], s20  }
0x9e: {  	_ =	swait.ge [sflag:s22], s20  }
0x9f: {  	s3 =	ssub.s32 $0x0, s20;
	[sflag:s22] =	ssyncset.done $0x0  }
0xa0: {  	[sflag:s22] =	ssyncadd.s32 s3;
	_ =	sdelay $0x1  }
0xa1: {  	s23 =	simm.s32 $0x1B8B  }
0xa2: {  	_ =	swait.ge [sflag:s23], $0x1  }
0xa3: {  	[sflag:s23] =	ssyncset.done $0x0  }
0xa4: {  	s25 =	simm.s32 $0x1B8E;
	s24 =	sld [smem:$0x3FFE];
	[sflag:s23] =	ssyncadd.s32 $0xFFFFFFFF  }
0xa5: {  	s26 =	simm.s32 $execute0_lowered;
	[smem:$0x3FD2] =	sst s25  }
0xa6: {  	s4 =	sshll.u32 s26, $0x1;
	_ =	strace $0x80000049;
	[dreg:$0x1] =	wrdreg $0xFFFFFFFF  }
0xa7: {  	s28 =	simm.s32 $_size_execute0_lowered;
	s2 =	sadd.s32 s2, s4;
	[dreg:$0x0] =	wrdreg $0x0  }
0xa8: {  	s4 =	sshll.u32 s28, $0x1;
	[dreg:$0x2] =	wrdreg s2  }
0xa9: {  	[dreg:$0x3] =	wrdreg s4  }
0xaa: {  	[dreg:$0x4] =	wrdreg $0xC0  }
0xab: {  	_ =	task [dreg:s6], $0x5FFFF  }
0xac: {  	[dreg:$0x1] =	wrdreg $0xFFFFFFFF  }
0xad: {  	[dreg:$0x0] =	wrdreg $0x60  }
0xae: {  	[dreg:$0x2] =	wrdreg s24  }
0xaf: {  	[dreg:$0x3] =	wrdreg $0xB7800  }
0xb0: {  	[dreg:$0x4] =	wrdreg $0x9  }
0xb1: {  	_ =	task.clear_ibuf [dreg:s6], $0x5FFFF;
	_ =	strace $0x90000049  }
0xb2: {  	s29 =	simm.s32 $0x9;
	_ =	strace $0x8000004B  }
0xb3: {  	_ =	swait.ge [sflag:s29], $0x1  }
0xb4: {  	[sflag:s29] =	ssyncadd.s32 $0xFFFFFFFF  }
0xb5: {  	_ =	strace $0x9000004B  }
0xb6: {  	_ =	sfence  }
0xb7: {  	s30 =	sld [smem:$0x0];
	_ =	sdelay $0x2  }
0xb8: {  	s31 =	sshll.u32 s1, $0xD;
	s1 =	sshrl.u32 s1, $0x2  }
0xb9: {  	s3 =	sand.u32 $0x4000, s31;
	s1 =	sadd.s32 s1, s30  }
0xba: {  	s0 =	sor.u32 s3, s0;
	s1 =	sshll.u32 s1, $0x11  }
0xbb: {  	s0 =	sor.u32 s1, s0  }
0xbc: {  	s0 =	sadd.s32 $0x8F2B, s0  }
0xbd: {  	[sflag:s0] =	ssyncadd.remote.s32 $0x1  }
0xbe: {  	_ =	sfence.sel $0xFFFF  }
0xbf: {  	[dreg:$0x0] =	wrdreg $0xFFFFFFFF;
	(pc) =	sbr.abs _section_cstart, $3  }
0xc0: {  	[dreg:$0x1] =	wrdreg $0xFFFFFFFF  }
0xc1: {  	_ =	task.clear_ibuf [dreg:s6], $0x2FFFF;
	_ =	strace $0x9FFFFFFF  }
0xc2: {  	(tm) =	ssettm $0x7FFFFFFF  }
0xc3: {  	_ =	shalt  }
tec
execute0_lowered:
.L_overlay_start_1:
0x0: {  	(tag) =	ssettag $0x1  }
0x1: {  	s0 =	srdreg.scid  }
0x2: {  	s9 =	stileid.u32;
	s5 =	rddreg [dreg:$0x0]  }
0x3: {  	s2 =	rddreg [dreg:$0x1];
	s17 =	simm.s32 $0x6780;
	s18 =	simm.s32 $0x5  }
0x4: {  	s28 =	simm.s32 $0x4;
	s30 =	simm.s32 $0x6500;
	s31 =	simm.s32 $0x26C0  }
0x5: {  	s0 =	sand.u32 $0x1, s0;
	s6 =	sshll.u32 s9, $0x7;
	s22 =	smul.u32 $0x14000, s9  }
0x6: {  	s24 =	smul.u32 $0x50000, s9;
	s1 =	sshll.u32 s0, $0x4;
	s6 =	sand.u32 $0x380, s6  }
0x7: {  	s7 =	smul.u32 $0x140000, s0;
	s0 =	ssub.s32 $0x2, s0;
	s1 =	sor.u32 s9, s1  }
0x8: {  	s26 =	sshrl.u32 s0, $0x1;
	s29 =	sshrl.u32 s24, $0x2;
	s24 =	simm.s32 $0x1  }
0x9: {  	s3 =	sshrl.u32 s1, $0x3;
	s1 =	sshll.u32 s1, $0xB;
	s23 =	sadd.s32 s22, s7  }
0xa: {  	s0 =	ssub.s32 s0, s26;
	s22 =	simm.s32 $0x50;
	s26 =	simm.s32 $0x3  }
0xb: {  	s4 =	smul.u32 $0x13C00, s3;
	s3 =	simm.s32 $0x0;
	s1 =	sadd.s32 s1, s5  }
0xc: {  	s9 =	smax.u32 s0, $0x1;
	s0 =	simm.s32 $0x0;
	[smem:$0x7FF] =	sst s3  }
0xd: {  	s4 =	sor.u32 s6, s4;
	_ =	strace $0x8000004A;
	s6 =	sshrl.u32 s23, $0x3  }
0xe: {  	s23 =	simm.s32 $0x8F80;
	s4 =	sshrl.u32 s4, $0x3;
	s25 =	sadd.s32 s6, s5  }
0xf: {  	s6 =	sadd.s32 $0x17400, s1;
	s1 =	simm.s32 $0x6580;
	s8 =	sadd.s32 s4, s5  }
0x10: {  	s4 =	sadd.s32 $0x31200, s5;
	s5 =	sadd.s32 $0x27400, s8;
	s8 =	sadd.s32 s29, s2  }
0x11: {  	s7 =	sadd.s32 $0x58400, s25;
	s25 =	simm.s32 $0x2;
	s10 =	sadd.s32 $0x2800, s8  }
0x12: {  	s11 =	sadd.s32 $0x5000, s8;
	s12 =	sadd.s32 $0x7800, s8;
	s13 =	sadd.s32 $0xA000, s8  }
0x13: {  	v0 =	vimm.f32 $0.0e+00;
	s14 =	sadd.s32 $0xC800, s8;
	s15 =	sadd.s32 $0xF000, s8;
	s16 =	sadd.s32 $0x11800, s8  }
.LBB2_1:
0x14: {  	s19 =	sand.u32 $0xFE00, s3  }
0x15: {  	s20 =	sand.u32 $0x70, s3;
	s21 =	sshrl.u32 s19, $0x2  }
0x16: {  	s19 =	simm.s32 $0x40;
	s21 =	sor.u32 s20, s21;
	s20 =	simm.s32 $0x0  }
.LBB2_2:
0x17: {  	p0 =	sne.s32 s19, $0x9FC0  }
0x18: {  	[tilespmem:s21+$0x6780] =	vst v0;
	s20 =	sadd.s32 $0x10, s20;
	s21 =	smov.u32 s19;
	s19 =	sadd.s32 $0x40, s19  }
.Ltmp0:
0x19: {  	(pc) =	sbr.rel @p0 .LBB2_2-.Ltmp0, $4  }
0x1a: {  	_ = 	snop  }
0x1b: {  	s21 =	sand.u32 $0xFE00, s21  }
0x1c: {  	s29 =	sand.u32 $0x70, s20;
	s21 =	sshrl.u32 s21, $0x2  }
0x1d: {  	s21 =	sor.u32 s29, s21  }
0x1e: {  	[tilespmem:s21+$0x6780] =	vst v0  }
0x1f: {  	[spmem:s8] =	stream.linear.scatter [tilespmem:s17], [sflag:$0x5], $0x2800, $0x38;
	[tilespmem:$0x1F780] =	vst v63  }
0x20: {  	_ =	swait.ge [sflag:s18], $0x2800  }
0x21: {  	[sflag:s18] =	ssyncset.done $0x0  }
0x22: {  	[sflag:s18] =	ssyncadd.s32 $0xFFFFD800  }
0x23: {  	[spmem:s10] =	stream.linear.scatter [tilespmem:s17], [sflag:$0x5], $0x2800, $0x38;
	[tilespmem:$0x1F780] =	vst v63  }
0x24: {  	_ =	swait.ge [sflag:s18], $0x2800  }
0x25: {  	[sflag:s18] =	ssyncset.done $0x0  }
0x26: {  	[sflag:s18] =	ssyncadd.s32 $0xFFFFD800  }
0x27: {  	[spmem:s11] =	stream.linear.scatter [tilespmem:s17], [sflag:$0x5], $0x2800, $0x38;
	[tilespmem:$0x1F780] =	vst v63  }
0x28: {  	_ =	swait.ge [sflag:s18], $0x2800  }
0x29: {  	[sflag:s18] =	ssyncset.done $0x0  }
0x2a: {  	[sflag:s18] =	ssyncadd.s32 $0xFFFFD800  }
0x2b: {  	[spmem:s12] =	stream.linear.scatter [tilespmem:s17], [sflag:$0x5], $0x2800, $0x38;
	[tilespmem:$0x1F780] =	vst v63  }
0x2c: {  	_ =	swait.ge [sflag:s18], $0x2800  }
0x2d: {  	[sflag:s18] =	ssyncset.done $0x0  }
0x2e: {  	[sflag:s18] =	ssyncadd.s32 $0xFFFFD800  }
0x2f: {  	[spmem:s13] =	stream.linear.scatter [tilespmem:s17], [sflag:$0x5], $0x2800, $0x38;
	[tilespmem:$0x1F780] =	vst v63  }
0x30: {  	_ =	swait.ge [sflag:s18], $0x2800  }
0x31: {  	[sflag:s18] =	ssyncset.done $0x0  }
0x32: {  	[sflag:s18] =	ssyncadd.s32 $0xFFFFD800  }
0x33: {  	[spmem:s14] =	stream.linear.scatter [tilespmem:s17], [sflag:$0x5], $0x2800, $0x38;
	[tilespmem:$0x1F780] =	vst v63  }
0x34: {  	_ =	swait.ge [sflag:s18], $0x2800  }
0x35: {  	[sflag:s18] =	ssyncset.done $0x0  }
0x36: {  	[sflag:s18] =	ssyncadd.s32 $0xFFFFD800  }
0x37: {  	[spmem:s15] =	stream.linear.scatter [tilespmem:s17], [sflag:$0x5], $0x2800, $0x38;
	[tilespmem:$0x1F780] =	vst v63  }
0x38: {  	_ =	swait.ge [sflag:s18], $0x2800  }
0x39: {  	[sflag:s18] =	ssyncset.done $0x0  }
0x3a: {  	[sflag:s18] =	ssyncadd.s32 $0xFFFFD800  }
0x3b: {  	[spmem:s16] =	stream.linear.scatter [tilespmem:s17], [sflag:$0x5], $0x2800, $0x38;
	[tilespmem:$0x1F780] =	vst v63  }
0x3c: {  	_ =	swait.ge [sflag:s18], $0x2800  }
0x3d: {  	s19 =	simm.s32 $0x0;
	[sflag:s18] =	ssyncset.done $0x0  }
0x3e: {  	s20 =	simm.s32 $0x80;
	s29 =	simm.s32 $0x400;
	[sflag:s18] =	ssyncadd.s32 $0xFFFFD800  }
0x3f: {  	[tilespmem:s19], [sflag:$0x5] =	stream.strided.gather [hbm4b:s5+s20], $0x2780, s29, s20, $0x38;
	[tilespmem:$0x1F780] =	vst v63  }
0x40: {  	_ =	swait.ge [sflag:s18], $0x2780  }
0x41: {  	[sflag:s18] =	ssyncset.done $0x0  }
0x42: {  	s29 =	simm.s32 $0x2780;
	[sflag:s18] =	ssyncadd.s32 $0xFFFFD880  }
0x43: {  	[tilespmem:s29], [sflag:$0x5] =	stream.linear.gather [hbm4b:s6+s19], $0x3E80, $0x38;
	[tilespmem:$0x1F780] =	vst v63  }
0x44: {  	_ =	swait.ge [sflag:s18], $0x3E80  }
0x45: {  	[sflag:s18] =	ssyncset.done $0x0  }
0x46: {  	[sflag:s18] =	ssyncadd.s32 $0xFFFFC180  }
0x47: {  	[bflag:$0x0] =	sbarrier.arrive $0xFFFF  }
0x48: {  	[tilespmem:s17], [sflag:$0x1] =	stream.indirect.gather [hbm4b:s4+s22], $0x80, s19, s22, $0xb8;
	[tilespmem:$0x1F780] =	vst v63  }
0x49: {  	_ = 	snop  }
0x4a: {  	[tilespmem:s23], [sflag:$0x2] =	stream.indirect.gather [hbm4b:s4+s22], $0x80, s22, s22, $0xb8;
	[tilespmem:$0x1F780] =	vst v63  }
0x4b: {  	_ =	swait.ge [sflag:s24], $0x2800  }
0x4c: {  	[sflag:s24] =	ssyncset.done $0x0  }
0x4d: {  	s20 =	simm.s32 $0x2780;
	[sflag:s24] =	ssyncadd.s32 $0xFFFFD800  }
0x4e: {  	[spmem:s2] =	stream.indirect.scatter.add.f32 [tilespmem:s17], [sflag:$0x3], $0x80, s20, s22, $0xb8;
	[tilespmem:$0x1F780] =	vst v63  }
0x4f: {  	_ =	swait.ge [sflag:s25], $0x2800  }
0x50: {  	[sflag:s25] =	ssyncset.done $0x0  }
0x51: {  	s21 =	simm.s32 $0x2800;
	[sflag:s25] =	ssyncadd.s32 $0xFFFFD800  }
0x52: {  	[spmem:s2] =	stream.indirect.scatter.add.f32 [tilespmem:s23], [sflag:$0x4], $0x80, s21, s22, $0xb8;
	[tilespmem:$0x1F780] =	vst v63  }
0x53: {  	_ =	swait.ge [sflag:s26], $0x2800  }
0x54: {  	[sflag:s26] =	ssyncset.done $0x0  }
0x55: {  	s29 =	simm.s32 $0xA0;
	[sflag:s26] =	ssyncadd.s32 $0xFFFFD800  }
0x56: {  	[tilespmem:s17], [sflag:$0x1] =	stream.indirect.gather [hbm4b:s4+s22], $0x80, s29, s22, $0xb8;
	[tilespmem:$0x1F780] =	vst v63  }
0x57: {  	_ =	swait.ge [sflag:s28], $0x2800  }
0x58: {  	s19 =	simm.s32 $0x400;
	[sflag:s28] =	ssyncset.done $0x0  }
0x59: {  	s20 =	simm.s32 $0x140;
	s21 =	simm.s32 $0xF0;
	[sflag:s28] =	ssyncadd.s32 $0xFFFFD800  }
.LBB2_4:
0x5a: {  	[tilespmem:s23], [sflag:$0x2] =	stream.indirect.gather [hbm4b:s4+s22], $0x80, s21, s22, $0xb8;
	[tilespmem:$0x1F780] =	vst v63  }
0x5b: {  	s21 =	smov.u32 s19  }
0x5c: {  	p0 =	sne.s32 s19, $0xF000;
	s19 =	sadd.s32 $0x400, s19;
	_ =	swait.ge [sflag:s24], $0x2800  }
0x5d: {  	s21 =	sshra.s32 s21, $0x2;
	[sflag:s24] =	ssyncset.done $0x0  }
0x5e: {  	s29 =	sadd.s32 $0x2780, s21;
	[sflag:s24] =	ssyncadd.s32 $0xFFFFD800  }
0x5f: {  	[spmem:s2] =	stream.indirect.scatter.add.f32 [tilespmem:s17], [sflag:$0x3], $0x80, s29, s22, $0xb8;
	[tilespmem:$0x1F780] =	vst v63  }
0x60: {  	_ =	swait.ge [sflag:s25], $0x2800  }
0x61: {  	[sflag:s25] =	ssyncset.done $0x0  }
0x62: {  	s21 =	sadd.s32 $0x2800, s21;
	[sflag:s25] =	ssyncadd.s32 $0xFFFFD800  }
0x63: {  	[spmem:s2] =	stream.indirect.scatter.add.f32 [tilespmem:s23], [sflag:$0x4], $0x80, s21, s22, $0xb8;
	[tilespmem:$0x1F780] =	vst v63  }
0x64: {  	_ =	swait.ge [sflag:s26], $0x2800  }
0x65: {  	[sflag:s26] =	ssyncset.done $0x0  }
.Ltmp1:
0x66: {  	[sflag:s26] =	ssyncadd.s32 $0xFFFFD800;
	(pc) =	sbr.rel @p0 .LBB2_4-.Ltmp1, $4  }
0x67: {  	[tilespmem:s17], [sflag:$0x1] =	stream.indirect.gather [hbm4b:s4+s22], $0x80, s20, s22, $0xb8;
	[tilespmem:$0x1F780] =	vst v63  }
0x68: {  	_ =	swait.ge [sflag:s28], $0x2800  }
0x69: {  	[sflag:s28] =	ssyncset.done $0x0  }
0x6a: {  	s21 =	sadd.s32 $0x50, s20;
	s20 =	sadd.s32 $0xA0, s20;
	[sflag:s28] =	ssyncadd.s32 $0xFFFFD800  }
0x6b: {  	[tilespmem:s23], [sflag:$0x2] =	stream.indirect.gather [hbm4b:s4+s22], $0x80, s21, s22, $0xb8;
	[tilespmem:$0x1F780] =	vst v63  }
0x6c: {  	_ =	swait.ge [sflag:s24], $0x2800  }
0x6d: {  	[sflag:s24] =	ssyncset.done $0x0  }
0x6e: {  	s19 =	simm.s32 $0x6480;
	[sflag:s24] =	ssyncadd.s32 $0xFFFFD800  }
0x6f: {  	[spmem:s2] =	stream.indirect.scatter.add.f32 [tilespmem:s17], [sflag:$0x3], $0x80, s19, s22, $0xb8;
	[tilespmem:$0x1F780] =	vst v63  }
0x70: {  	_ =	swait.ge [sflag:s25], $0x2800  }
0x71: {  	[sflag:s25] =	ssyncset.done $0x0  }
0x72: {  	[sflag:s25] =	ssyncadd.s32 $0xFFFFD800  }
0x73: {  	[spmem:s2] =	stream.indirect.scatter.add.f32 [tilespmem:s23], [sflag:$0x4], $0x80, s30, s22, $0xb8;
	[tilespmem:$0x1F780] =	vst v63  }
0x74: {  	_ =	swait.ge [sflag:s26], $0x2800  }
0x75: {  	[sflag:s26] =	ssyncset.done $0x0  }
0x76: {  	[sflag:s26] =	ssyncadd.s32 $0xFFFFD800  }
0x77: {  	[tilespmem:s17], [sflag:$0x1] =	stream.indirect.gather [hbm4b:s4+s22], $0x80, s31, s22, $0xb8;
	[tilespmem:$0x1F780] =	vst v63  }
0x78: {  	_ =	swait.ge [sflag:s28], $0x2800  }
0x79: {  	[sflag:s28] =	ssyncset.done $0x0  }
0x7a: {  	[sflag:s28] =	ssyncadd.s32 $0xFFFFD800  }
0x7b: {  	_ =	swait.ge [sflag:s24], $0x2800  }
0x7c: {  	[sflag:s24] =	ssyncset.done $0x0  }
0x7d: {  	[sflag:s24] =	ssyncadd.s32 $0xFFFFD800  }
0x7e: {  	[spmem:s2] =	stream.indirect.scatter.add.f32 [tilespmem:s17], [sflag:$0x5], $0x80, s1, s22, $0xb8;
	[tilespmem:$0x1F780] =	vst v63  }
0x7f: {  	s29 =	stileid.u32;
	_ =	swait.ge [sflag:s18], $0x2800  }
0x80: {  	s20 =	sshrl.u32 s8, $0x3;
	s0 =	sadd.s32 $0x1, s0;
	[sflag:s18] =	ssyncset.done $0x0  }
0x81: {  	p0 =	sne.s32 s0, s9;
	s19 =	sshll.u32 s29, $0x6;
	[sflag:s18] =	ssyncadd.s32 $0xFFFFD800  }
.Ltmp2:
0x82: {  	s19 =	sor.u32 $0x1C05, s19;
	[bflag:$0x0] =	sbarrier.arrive $0xFFFF;
	(pc) =	sbr.rel @p0 .LBB2_1-.Ltmp2, $4  }
0x83: {  	[hbm:s7], [sflag:s19] =	dma.local [spmem:s20], $0x2800  }
0x84: {  	_ =	swait.ge [sflag:s18], $0x2800  }
0x85: {  	[sflag:s18] =	ssyncset.done $0x0  }
0x86: {  	[sflag:s18] =	ssyncadd.s32 $0xFFFFD800  }
0x87: {  	_ =	sfence.sel $0x180000  }
0x88: {  	[bflag:$0x0] =	sbarrier.arrive $0xFFFF  }
0x89: {  	_ =	strace $0x9000004A  }
0x8a: {  	s0 =	stileid.u32;
	[bflag:$0x2] =	sbarrier.arrive $0xFFFF  }
0x8b: {  	p0 =	sne.s32 s0, $0x0;
	s0 =	rddreg [dreg:$0x2]  }
0x8c: {  	s0 =	sadd.s32 @!p0 $0x100000, s0  }
0x8d: {  	[sflag:s0] =	ssyncadd.tile.s32 @!p0 $0x1;
	_ =	shalt  }
.Lfunc_end2:
_tile_overlayer_lowered:
.L_overlay_start_2:
0x8e: {  	(tag) =	ssettag $0x2  }
0x8f: {  	s0 =	rddreg [dreg:$0x0];
	s2 =	stileid.u32  }
0x90: {  	s1 =	rddreg [dreg:$0x1];
	p0 =	sne.s32 s2, $0x0  }
0x91: {  	s3 =	rddreg [dreg:$0x2];
	[bflag:$0x3] =	sbarrier.arrive $0xFFFF;
	s2 =	simm.s32 @!p0 $0x1C05  }
0x92: {  	[timem:s3], [sflag:s2] =	dma.local @!p0 [hbm:s0], s1  }
0x93: {  	s0 =	simm.s32 @!p0 $0x5  }
0x94: {  	_ =	swait.ge @!p0 [sflag:s0], s1  }
0x95: {  	s1 =	ssub.s32 @!p0 $0x0, s1;
	[sflag:s0] =	ssyncset.done @!p0 $0x0  }
0x96: {  	[sflag:s0] =	ssyncadd.s32 @!p0 s1  }
0x97: {  	[bflag:$0x3] =	sbarrier.arrive $0xFFFF  }
0x98: {  	_ =	shalt  }

</sc_bundles>
